<compile_context>
chip_gen: v7x
topology: tpu7x:2x2x1
jax: 0.10.2.dev20260603
libtpu: 0.0.44.dev20260713+nightly
codegen_flags: <defaults>
</compile_context>

<pallas_src>
import functools

import jax
import jax.numpy as jnp
from jax import lax
from jax.experimental import pallas as pl
from jax.experimental.pallas import tpu as pltpu
from jax.experimental.pallas import tpu_sc as plsc

N = 4096
XD = 128
DIM = 64
K_EDGES = 65536
A1 = 0.1
A2 = 2.0

TOT = N * N
NB = 4096
NC = 2
NS = 16
NW = NC * NS
PER_W = TOT // NW
CH = 8192
BLK = 128

_PREC = lax.Precision.DEFAULT


def _nodevec_body(x_ref, w1_ref, b1_ref, w2_ref, b2_ref, v1_ref, v2_ref):
    x = x_ref[...]
    z1 = lax.dot_general(x, w1_ref[...], (((1,), (1,)), ((), ())),
                         precision=_PREC)
    z2 = lax.dot_general(x, w2_ref[...], (((1,), (1,)), ((), ())),
                         precision=_PREC)
    v1_ref[...] = jnp.tanh(A1 * (z1 + b1_ref[...]))
    v2_ref[...] = jnp.tanh(A1 * (z2 + b2_ref[...]))


_nodevec_call = pl.pallas_call(
    _nodevec_body,
    out_shape=(
        jax.ShapeDtypeStruct((N, DIM), jnp.float32),
        jax.ShapeDtypeStruct((N, DIM), jnp.float32),
    ),
)


def _scores_body(v1_ref, v2_ref, p_ref):
    s = lax.dot_general(v1_ref[...], v2_ref[...], (((1,), (1,)), ((), ())),
                        precision=_PREC)
    p = 1.0 / (1.0 + jnp.exp(-A2 * s))
    p_ref[...] = p.reshape(BLK * N)


_scores_call = pl.pallas_call(
    _scores_body,
    grid=(N // BLK,),
    in_specs=[
        pl.BlockSpec((BLK, DIM), lambda i: (i, 0)),
        pl.BlockSpec((N, DIM), lambda i: (0, 0)),
    ],
    out_specs=pl.BlockSpec((BLK * N,), lambda i: (i,)),
    out_shape=jax.ShapeDtypeStruct((TOT,), jnp.float32),
)


def _sc_hist_body(p_hbm, par_hbm, out_hbm, par_v, buf0_v, buf1_v,
                  hist_v, sem0, sem1):
    wid = lax.axis_index("s") * NC + lax.axis_index("c")
    base = wid * PER_W
    pltpu.sync_copy(par_hbm, par_v)
    lo = par_v[pl.ds(0, 16)]
    scale = par_v[pl.ds(16, 16)]
    mlo = par_v[pl.ds(32, 16)]
    mhi = par_v[pl.ds(48, 16)]

    @plsc.parallel_loop(0, NB, 16, unroll=8)
    def _zero(off):
        hist_v[pl.ds(off, 16)] = jnp.zeros((16,), jnp.float32)

    ones = jnp.ones((16,), jnp.float32)

    def _start(c, buf, sem):
        pltpu.async_copy(p_hbm.at[pl.ds(base + c * CH, CH)], buf, sem)

    def _wait(c, buf, sem):
        pltpu.make_async_copy(p_hbm.at[pl.ds(base + c * CH, CH)], buf,
                              sem).wait()

    def _process(buf):
        @plsc.parallel_loop(0, CH, 16, unroll=8)
        def _vec(off):
            x = buf[pl.ds(off, 16)]
            iv = jnp.clip(((x - lo) * scale).astype(jnp.int32), 0, NB - 1)
            m = (x >= mlo) & (x < mhi)
            plsc.addupdate_scatter(hist_v, [iv], ones, mask=m)

    NPAIR = PER_W // CH // 2
    _start(0, buf0_v, sem0)

    def _pair(g, carry):
        c0 = 2 * g
        _wait(c0, buf0_v, sem0)
        _start(c0 + 1, buf1_v, sem1)
        _process(buf0_v)
        _wait(c0 + 1, buf1_v, sem1)

        @pl.when(g + 1 < NPAIR)
        def _():
            _start(c0 + 2, buf0_v, sem0)

        _process(buf1_v)
        return carry

    lax.fori_loop(0, NPAIR, _pair, 0)
    pltpu.sync_copy(hist_v, out_hbm.at[pl.ds(wid * NB, NB)])


_sc_hist_call = functools.partial(
    pl.kernel,
    out_type=jax.ShapeDtypeStruct((NW * NB,), jnp.float32),
    mesh=plsc.VectorSubcoreMesh(core_axis_name="c", subcore_axis_name="s",
                                num_cores=NC, num_subcores=NS),
    scratch_types=[
        pltpu.VMEM((64,), jnp.float32),
        pltpu.VMEM((CH,), jnp.float32),
        pltpu.VMEM((CH,), jnp.float32),
        pltpu.VMEM((NB,), jnp.float32),
        pltpu.SemaphoreType.DMA,
        pltpu.SemaphoreType.DMA,
    ],
    compiler_params=pltpu.CompilerParams(needs_layout_passes=False),
)(_sc_hist_body)


def _mask_body(t_ref, v1_ref, v2_ref, o_ref):
    i = pl.program_id(0)
    t = t_ref[0, 0]
    s = lax.dot_general(v1_ref[...], v2_ref[...], (((1,), (1,)), ((), ())),
                        precision=_PREC)
    p = 1.0 / (1.0 + jnp.exp(-A2 * s))
    o = jnp.where(p >= t, p, 0.0)
    row = lax.broadcasted_iota(jnp.int32, (BLK, N), 0)
    col = lax.broadcasted_iota(jnp.int32, (BLK, N), 1)
    dm = col == row + i * BLK
    o_ref[...] = jnp.where(dm, jnp.maximum(o, 0.5), o)


_mask_call = pl.pallas_call(
    _mask_body,
    grid=(N // BLK,),
    in_specs=[
        pl.BlockSpec((1, 1), lambda i: (0, 0)),
        pl.BlockSpec((BLK, DIM), lambda i: (i, 0)),
        pl.BlockSpec((N, DIM), lambda i: (0, 0)),
    ],
    out_specs=pl.BlockSpec((BLK, N), lambda i: (i, 0)),
    out_shape=jax.ShapeDtypeStruct((N, N), jnp.float32),
)


def _params(lo, scale, mlo, mhi):
    vals = jnp.stack([lo, scale, mlo, mhi]).astype(jnp.float32)
    return jnp.repeat(vals, 16)


def kernel(static_feat, W1, b1, W2, b2):
    v1, v2 = _nodevec_call(static_feat, W1, b1.reshape(1, DIM),
                           W2, b2.reshape(1, DIM))
    pf = _scores_call(v1, v2)

    par1 = _params(jnp.float32(0.0), jnp.float32(NB),
                   jnp.float32(-1e30), jnp.float32(1e30))
    h1 = _sc_hist_call(pf, par1).reshape(NW, NB).astype(jnp.int32).sum(axis=0)
    suf1 = jnp.cumsum(h1[::-1])[::-1]
    j1 = jnp.sum((suf1 >= K_EDGES).astype(jnp.int32)) - 1
    above2 = suf1[j1] - h1[j1]
    lo2 = j1.astype(jnp.float32) / jnp.float32(NB)
    w1b = jnp.float32(1.0 / NB)

    par2 = _params(lo2, jnp.float32(NB * NB), lo2, lo2 + w1b)
    h2 = _sc_hist_call(pf, par2).reshape(NW, NB).astype(jnp.int32).sum(axis=0)
    suf2 = jnp.cumsum(h2[::-1])[::-1] + above2
    j2 = jnp.sum((suf2 >= K_EDGES).astype(jnp.int32)) - 1
    t = lo2 + j2.astype(jnp.float32) * jnp.float32(1.0 / (NB * NB))

    return _mask_call(t.reshape(1, 1), v1, v2)

# --- scband reference (transcript-rebuilt; emitter-appended) ---
"""Pipeline reference for scband-edge-structure-learner-28716151341612 (READ-ONLY COPY).

The authoritative reference and input builder live on the scoring server;
editing this copy changes nothing except your own understanding.
"""

import jax, jax.numpy as jnp
import numpy as np

N = 4096
XD = 128
DIM = 64
NUM_EDGES = 65536
ALPHA1 = 0.1
ALPHA2 = 2.0


def setup_inputs(seed: int = 0) -> dict:
    key = jax.random.key(seed)
    k1, k2, k3, k4, k5 = jax.random.split(key, 5)
    static_feat = jax.random.normal(k1, (N, XD), dtype=jnp.float32)
    lim = 1.0 / np.sqrt(XD)
    W1 = jax.random.uniform(k2, (DIM, XD), minval=-lim, maxval=lim, dtype=jnp.float32)
    b1 = jax.random.uniform(k3, (DIM,), minval=-lim, maxval=lim, dtype=jnp.float32)
    W2 = jax.random.uniform(k4, (DIM, XD), minval=-lim, maxval=lim, dtype=jnp.float32)
    b2 = jax.random.uniform(k5, (DIM,), minval=-lim, maxval=lim, dtype=jnp.float32)
    return {"static_feat": static_feat, "W1": W1, "b1": b1, "W2": W2, "b2": b2}


def reference(static_feat, W1, b1, W2, b2):
    nodevec1 = jnp.tanh(ALPHA1 * (static_feat @ W1.T + b1))
    nodevec2 = jnp.tanh(ALPHA1 * (static_feat @ W2.T + b2))
    adj = jax.nn.sigmoid(ALPHA2 * (nodevec1 @ nodevec2.T))
    flat = adj.reshape(-1)
    _, strongest_idxs = jax.lax.top_k(flat, NUM_EDGES)
    mask = jnp.zeros(N * N, dtype=flat.dtype).at[strongest_idxs].set(1.0)
    adj = (flat * mask).reshape((N, N))
    # self loops: clamp diagonal to min 0.5
    diag_idx = jnp.arange(N)
    d = adj[diag_idx, diag_idx]
    adj = adj.at[diag_idx, diag_idx].set(jnp.maximum(d, 0.5))
    return adj

if __name__ == "__main__":
    import jax
    _d = setup_inputs()
    print(jax.jit(kernel)(*tuple(_d.values())))

</pallas_src>

<mosaic_0001>
#map = affine_map<(d0, d1) -> (0)>
module attributes {stable_mosaic.version = 14 : i64} {
  func.func @_sc_hist_body(%arg0: i32, %arg1: i32, %arg2: memref<16777216xf32, #tpu.memory_space<hbm>>, %arg3: memref<64xf32, #tpu.memory_space<hbm>>, %arg4: memref<131072xf32, #tpu.memory_space<hbm>>, %arg5: memref<64xf32, #tpu.memory_space<vmem>>, %arg6: memref<8192xf32, #tpu.memory_space<vmem>>, %arg7: memref<8192xf32, #tpu.memory_space<vmem>>, %arg8: memref<4096xf32, #tpu.memory_space<vmem>>, %arg9: memref<!tpu.dma_semaphore, #tpu.memory_space<semaphore_mem>>, %arg10: memref<!tpu.dma_semaphore, #tpu.memory_space<semaphore_mem>>) attributes {dimension_semantics = [#tpu.dimension_semantics<core_parallel>, #tpu.dimension_semantics<subcore_parallel>], iteration_bounds = array<i64: 2, 16>, scalar_prefetch = 0 : i64, scratch_operands = 6 : i64, tpu.core_type = #tpu.core_type<sc_vector_subcore>, window_params = [{transform_indices = #map}, {transform_indices = #map}, {transform_indices = #map}]} {
    %mul3A = arith.constant 2 : i32
    %mul3A_0 = arith.muli %arg1, %mul3A : i32
    %add3A = arith.addi %mul3A_0, %arg0 : i32
    %mul3A_1 = arith.constant 524288 : i32
    %mul3A_2 = arith.muli %add3A, %mul3A_1 : i32
    "tpu.region"() ({
      %run_scoped3A = tpu.sem_alloc : memref<!tpu.dma_semaphore, #tpu.memory_space<semaphore_mem>>
      tpu.enqueue_dma source(%arg3 : memref<64xf32, #tpu.memory_space<hbm>>) target(%arg5 : memref<64xf32, #tpu.memory_space<vmem>>) target_semaphore(%run_scoped3A : memref<!tpu.dma_semaphore, #tpu.memory_space<semaphore_mem>>)
      tpu.wait_dma2 semaphore(%run_scoped3A : memref<!tpu.dma_semaphore, #tpu.memory_space<semaphore_mem>>) src(%arg3 : memref<64xf32, #tpu.memory_space<hbm>>) dst(%arg5 : memref<64xf32, #tpu.memory_space<vmem>>)
      tpu.yield
    }) : () -> ()
    %get3A = arith.constant 0 : index
    %get3A_3 = tpu.vector_load %arg5[%get3A] {strides = array<i32>} : memref<64xf32, #tpu.memory_space<vmem>>, vector<16xf32>,
    %get3A_4 = arith.constant 16 : index
    %get3A_5 = tpu.vector_load %arg5[%get3A_4] {strides = array<i32>} : memref<64xf32, #tpu.memory_space<vmem>>, vector<16xf32>,
    %get3A_6 = arith.constant 32 : index
    %get3A_7 = tpu.vector_load %arg5[%get3A_6] {strides = array<i32>} : memref<64xf32, #tpu.memory_space<vmem>>, vector<16xf32>,
    %get3A_8 = arith.constant 48 : index
    %get3A_9 = tpu.vector_load %arg5[%get3A_8] {strides = array<i32>} : memref<64xf32, #tpu.memory_space<vmem>>, vector<16xf32>,
    %parallel_loop3A = arith.constant 0 : i32
    %parallel_loop3A_10 = arith.constant 4096 : i32
    %parallel_loop3A_11 = arith.constant 16 : i32
    scf.for %parallel_loop3A_23 = %parallel_loop3A to %parallel_loop3A_10 step %parallel_loop3A_11  : i32 {
      %parallel_loop3A_24 = arith.constant 0.000000e+00 : f32
      %parallel_loop3A_25 = vector.broadcast %parallel_loop3A_24 : f32 to vector<16xf32>
      %parallel_loop3A_26 = arith.index_cast %parallel_loop3A_23 : i32 to index
      %parallel_loop3A_27 = tpu.vector_load %arg8[%parallel_loop3A_26] {strides = array<i32>} : memref<4096xf32, #tpu.memory_space<vmem>>, vector<16xf32>,
      tpu.vector_store %arg8[%parallel_loop3A_26], %parallel_loop3A_25 {strides = array<i32>} : memref<4096xf32, #tpu.memory_space<vmem>>, vector<16xf32>,
    } {sc.loop_unroll_factor = 8 : i64, sc.parallel_access}
    %broadcast_in_dim3A = arith.constant 1.000000e+00 : f32
    %broadcast_in_dim3A_12 = vector.broadcast %broadcast_in_dim3A : f32 to vector<16xf32>
    %add3A_13 = arith.constant 0 : i32
    %add3A_14 = arith.addi %mul3A_2, %add3A_13 : i32
    %dma_start3A = tpu.memref_slice %arg2[%add3A_14] : memref<16777216xf32, #tpu.memory_space<hbm>> -> memref<8192xf32, #tpu.memory_space<hbm>>
    %dma_start3A_15 = tpu.memref_slice %arg2[%add3A_14] : memref<16777216xf32, #tpu.memory_space<hbm>> -> memref<8192xf32, #tpu.memory_space<hbm>>
    tpu.enqueue_dma source(%dma_start3A_15 : memref<8192xf32, #tpu.memory_space<hbm>>) target(%arg6 : memref<8192xf32, #tpu.memory_space<vmem>>) target_semaphore(%arg9 : memref<!tpu.dma_semaphore, #tpu.memory_space<semaphore_mem>>)
    %scan3A = arith.constant 0 : i32
    %scan3A_16 = arith.constant 0 : i32
    %scan3A_17 = arith.constant 32 : i32
    %scan3A_18 = arith.addi %scan3A_16, %scan3A_17 : i32
    %scan3A_19 = arith.constant 1 : i32
    scf.for %scan3A_23 = %scan3A_16 to %scan3A_18 step %scan3A_19  : i32 {
      %mul3A_24 = arith.constant 2 : i32
      %mul3A_25 = arith.muli %mul3A_24, %scan3A_23 : i32
      %mul3A_26 = arith.constant 8192 : i32
      %mul3A_27 = arith.muli %mul3A_25, %mul3A_26 : i32
      %add3A_28 = arith.addi %mul3A_2, %mul3A_27 : i32
      %dma_wait3A = tpu.memref_slice %arg2[%add3A_28] : memref<16777216xf32, #tpu.memory_space<hbm>> -> memref<8192xf32, #tpu.memory_space<hbm>>
      %dma_wait3A_29 = tpu.memref_slice %arg2[%add3A_28] : memref<16777216xf32, #tpu.memory_space<hbm>> -> memref<8192xf32, #tpu.memory_space<hbm>>
      tpu.wait_dma2 semaphore(%arg9 : memref<!tpu.dma_semaphore, #tpu.memory_space<semaphore_mem>>) src(%dma_wait3A_29 : memref<8192xf32, #tpu.memory_space<hbm>>) dst(%arg6 : memref<8192xf32, #tpu.memory_space<vmem>>)
      %add3A_30 = arith.constant 1 : i32
      %add3A_31 = arith.addi %mul3A_25, %add3A_30 : i32
      %mul3A_32 = arith.constant 8192 : i32
      %mul3A_33 = arith.muli %add3A_31, %mul3A_32 : i32
      %add3A_34 = arith.addi %mul3A_2, %mul3A_33 : i32
      %dma_start3A_35 = tpu.memref_slice %arg2[%add3A_34] : memref<16777216xf32, #tpu.memory_space<hbm>> -> memref<8192xf32, #tpu.memory_space<hbm>>
      %dma_start3A_36 = tpu.memref_slice %arg2[%add3A_34] : memref<16777216xf32, #tpu.memory_space<hbm>> -> memref<8192xf32, #tpu.memory_space<hbm>>
      tpu.enqueue_dma source(%dma_start3A_36 : memref<8192xf32, #tpu.memory_space<hbm>>) target(%arg7 : memref<8192xf32, #tpu.memory_space<vmem>>) target_semaphore(%arg10 : memref<!tpu.dma_semaphore, #tpu.memory_space<semaphore_mem>>)
      %parallel_loop3A_37 = arith.constant 0 : i32
      %parallel_loop3A_38 = arith.constant 8192 : i32
      %parallel_loop3A_39 = arith.constant 16 : i32
      scf.for %parallel_loop3A_54 = %parallel_loop3A_37 to %parallel_loop3A_38 step %parallel_loop3A_39  : i32 {
        %parallel_loop3A_55 = arith.index_cast %parallel_loop3A_54 : i32 to index
        %parallel_loop3A_56 = tpu.vector_load %arg6[%parallel_loop3A_55] {strides = array<i32>} : memref<8192xf32, #tpu.memory_space<vmem>>, vector<16xf32>,
        %parallel_loop3A_57 = arith.subf %parallel_loop3A_56, %get3A_3 : vector<16xf32>
        %parallel_loop3A_58 = arith.mulf %parallel_loop3A_57, %get3A_5 : vector<16xf32>
        %parallel_loop3A_59 = arith.fptosi %parallel_loop3A_58 : vector<16xf32> to vector<16xi32>
        %parallel_loop3A_60 = arith.constant 0 : i32
        %parallel_loop3A_61 = arith.constant 4095 : i32
        %parallel_loop3A_62 = vector.broadcast %parallel_loop3A_60 : i32 to vector<16xi32>
        %parallel_loop3A_63 = arith.maxsi %parallel_loop3A_62, %parallel_loop3A_59 : vector<16xi32>
        %parallel_loop3A_64 = vector.broadcast %parallel_loop3A_61 : i32 to vector<16xi32>
        %parallel_loop3A_65 = arith.minsi %parallel_loop3A_64, %parallel_loop3A_63 : vector<16xi32>
        %parallel_loop3A_66 = arith.cmpf oge, %parallel_loop3A_56, %get3A_7 : vector<16xf32>
        %parallel_loop3A_67 = arith.cmpf olt, %parallel_loop3A_56, %get3A_9 : vector<16xf32>
        %parallel_loop3A_68 = arith.andi %parallel_loop3A_66, %parallel_loop3A_67 : vector<16xi1>
        tpu.vector_store_idx %arg8[%parallel_loop3A_65], %broadcast_in_dim3A_12 masked %parallel_loop3A_68 {add = true} : memref<4096xf32, #tpu.memory_space<vmem>>[vector<16xi32>], vector<16xf32>, vector<16xi1>
      } {sc.loop_unroll_factor = 8 : i64, sc.parallel_access}
      %add3A_40 = arith.constant 1 : i32
      %add3A_41 = arith.addi %mul3A_25, %add3A_40 : i32
      %mul3A_42 = arith.constant 8192 : i32
      %mul3A_43 = arith.muli %add3A_41, %mul3A_42 : i32
      %add3A_44 = arith.addi %mul3A_2, %mul3A_43 : i32
      %dma_wait3A_45 = tpu.memref_slice %arg2[%add3A_44] : memref<16777216xf32, #tpu.memory_space<hbm>> -> memref<8192xf32, #tpu.memory_space<hbm>>
      %dma_wait3A_46 = tpu.memref_slice %arg2[%add3A_44] : memref<16777216xf32, #tpu.memory_space<hbm>> -> memref<8192xf32, #tpu.memory_space<hbm>>
      tpu.wait_dma2 semaphore(%arg10 : memref<!tpu.dma_semaphore, #tpu.memory_space<semaphore_mem>>) src(%dma_wait3A_46 : memref<8192xf32, #tpu.memory_space<hbm>>) dst(%arg7 : memref<8192xf32, #tpu.memory_space<vmem>>)
      %add3A_47 = arith.constant 1 : i32
      %add3A_48 = arith.addi %scan3A_23, %add3A_47 : i32
      %lt3A = arith.constant 32 : i32
      %lt3A_49 = arith.cmpi slt, %add3A_48, %lt3A : i32
      %convert_element_type3A = arith.extui %lt3A_49 : i1 to i32
      %cond3A = arith.constant 0 : i32
      %cond3A_50 = arith.cmpi ne, %convert_element_type3A, %cond3A : i32
      scf.if %cond3A_50 {
        %add3A_54 = arith.constant 2 : i32
        %add3A_55 = arith.addi %mul3A_25, %add3A_54 : i32
        %mul3A_56 = arith.constant 8192 : i32
        %mul3A_57 = arith.muli %add3A_55, %mul3A_56 : i32
        %add3A_58 = arith.addi %mul3A_2, %mul3A_57 : i32
        %dma_start3A_59 = tpu.memref_slice %arg2[%add3A_58] : memref<16777216xf32, #tpu.memory_space<hbm>> -> memref<8192xf32, #tpu.memory_space<hbm>>
        %dma_start3A_60 = tpu.memref_slice %arg2[%add3A_58] : memref<16777216xf32, #tpu.memory_space<hbm>> -> memref<8192xf32, #tpu.memory_space<hbm>>
        tpu.enqueue_dma source(%dma_start3A_60 : memref<8192xf32, #tpu.memory_space<hbm>>) target(%arg6 : memref<8192xf32, #tpu.memory_space<vmem>>) target_semaphore(%arg9 : memref<!tpu.dma_semaphore, #tpu.memory_space<semaphore_mem>>)
      } else {
      }
      %parallel_loop3A_51 = arith.constant 0 : i32
      %parallel_loop3A_52 = arith.constant 8192 : i32
      %parallel_loop3A_53 = arith.constant 16 : i32
      scf.for %parallel_loop3A_54 = %parallel_loop3A_51 to %parallel_loop3A_52 step %parallel_loop3A_53  : i32 {
        %parallel_loop3A_55 = arith.index_cast %parallel_loop3A_54 : i32 to index
        %parallel_loop3A_56 = tpu.vector_load %arg7[%parallel_loop3A_55] {strides = array<i32>} : memref<8192xf32, #tpu.memory_space<vmem>>, vector<16xf32>,
        %parallel_loop3A_57 = arith.subf %parallel_loop3A_56, %get3A_3 : vector<16xf32>
        %parallel_loop3A_58 = arith.mulf %parallel_loop3A_57, %get3A_5 : vector<16xf32>
        %parallel_loop3A_59 = arith.fptosi %parallel_loop3A_58 : vector<16xf32> to vector<16xi32>
        %parallel_loop3A_60 = arith.constant 0 : i32
        %parallel_loop3A_61 = arith.constant 4095 : i32
        %parallel_loop3A_62 = vector.broadcast %parallel_loop3A_60 : i32 to vector<16xi32>
        %parallel_loop3A_63 = arith.maxsi %parallel_loop3A_62, %parallel_loop3A_59 : vector<16xi32>
        %parallel_loop3A_64 = vector.broadcast %parallel_loop3A_61 : i32 to vector<16xi32>
        %parallel_loop3A_65 = arith.minsi %parallel_loop3A_64, %parallel_loop3A_63 : vector<16xi32>
        %parallel_loop3A_66 = arith.cmpf oge, %parallel_loop3A_56, %get3A_7 : vector<16xf32>
        %parallel_loop3A_67 = arith.cmpf olt, %parallel_loop3A_56, %get3A_9 : vector<16xf32>
        %parallel_loop3A_68 = arith.andi %parallel_loop3A_66, %parallel_loop3A_67 : vector<16xi1>
        tpu.vector_store_idx %arg8[%parallel_loop3A_65], %broadcast_in_dim3A_12 masked %parallel_loop3A_68 {add = true} : memref<4096xf32, #tpu.memory_space<vmem>>[vector<16xi32>], vector<16xf32>, vector<16xi1>
      } {sc.loop_unroll_factor = 8 : i64, sc.parallel_access}
    }
    %scan3A_20 = arith.constant 32 : i32
    %mul3A_21 = arith.constant 4096 : i32
    %mul3A_22 = arith.muli %add3A, %mul3A_21 : i32
    "tpu.region"() ({
      %run_scoped3A = tpu.sem_alloc : memref<!tpu.dma_semaphore, #tpu.memory_space<semaphore_mem>>
      %dma_start3A_23 = tpu.memref_slice %arg4[%mul3A_22] : memref<131072xf32, #tpu.memory_space<hbm>> -> memref<4096xf32, #tpu.memory_space<hbm>>
      %dma_start3A_24 = tpu.memref_slice %arg4[%mul3A_22] : memref<131072xf32, #tpu.memory_space<hbm>> -> memref<4096xf32, #tpu.memory_space<hbm>>
      tpu.enqueue_dma source(%arg8 : memref<4096xf32, #tpu.memory_space<vmem>>) target(%dma_start3A_24 : memref<4096xf32, #tpu.memory_space<hbm>>) target_semaphore(%run_scoped3A : memref<!tpu.dma_semaphore, #tpu.memory_space<semaphore_mem>>)
      %dma_wait3A = tpu.memref_slice %arg4[%mul3A_22] : memref<131072xf32, #tpu.memory_space<hbm>> -> memref<4096xf32, #tpu.memory_space<hbm>>
      %dma_wait3A_25 = tpu.memref_slice %arg4[%mul3A_22] : memref<131072xf32, #tpu.memory_space<hbm>> -> memref<4096xf32, #tpu.memory_space<hbm>>
      tpu.wait_dma2 semaphore(%run_scoped3A : memref<!tpu.dma_semaphore, #tpu.memory_space<semaphore_mem>>) src(%arg8 : memref<4096xf32, #tpu.memory_space<vmem>>) dst(%dma_wait3A_25 : memref<4096xf32, #tpu.memory_space<hbm>>)
      tpu.yield
    }) : () -> ()
    return
  }
}

#map = affine_map<(d0, d1) -> (0)>
module attributes {stable_mosaic.version = 14 : i64} {
  func.func @_sc_hist_body(%arg0: i32, %arg1: i32, %arg2: memref<16777216xf32, #tpu.memory_space<hbm>>, %arg3: memref<64xf32, #tpu.memory_space<hbm>>, %arg4: memref<131072xf32, #tpu.memory_space<hbm>>, %arg5: memref<64xf32, #tpu.memory_space<vmem>>, %arg6: memref<8192xf32, #tpu.memory_space<vmem>>, %arg7: memref<8192xf32, #tpu.memory_space<vmem>>, %arg8: memref<4096xf32, #tpu.memory_space<vmem>>, %arg9: memref<!tpu.dma_semaphore, #tpu.memory_space<semaphore_mem>>, %arg10: memref<!tpu.dma_semaphore, #tpu.memory_space<semaphore_mem>>) attributes {dimension_semantics = [#tpu.dimension_semantics<core_parallel>, #tpu.dimension_semantics<subcore_parallel>], iteration_bounds = array<i64: 2, 16>, scalar_prefetch = 0 : i64, scratch_operands = 6 : i64, tpu.core_type = #tpu.core_type<sc_vector_subcore>, window_params = [{transform_indices = #map}, {transform_indices = #map}, {transform_indices = #map}]} {
    %mul3A = arith.constant 2 : i32
    %mul3A_0 = arith.muli %arg1, %mul3A : i32
    %add3A = arith.addi %mul3A_0, %arg0 : i32
    %mul3A_1 = arith.constant 524288 : i32
    %mul3A_2 = arith.muli %add3A, %mul3A_1 : i32
    "tpu.region"() ({
      %run_scoped3A = tpu.sem_alloc : memref<!tpu.dma_semaphore, #tpu.memory_space<semaphore_mem>>
      tpu.enqueue_dma source(%arg3 : memref<64xf32, #tpu.memory_space<hbm>>) target(%arg5 : memref<64xf32, #tpu.memory_space<vmem>>) target_semaphore(%run_scoped3A : memref<!tpu.dma_semaphore, #tpu.memory_space<semaphore_mem>>)
      tpu.wait_dma2 semaphore(%run_scoped3A : memref<!tpu.dma_semaphore, #tpu.memory_space<semaphore_mem>>) src(%arg3 : memref<64xf32, #tpu.memory_space<hbm>>) dst(%arg5 : memref<64xf32, #tpu.memory_space<vmem>>)
      tpu.yield
    }) : () -> ()
    %get3A = arith.constant 0 : index
    %get3A_3 = tpu.vector_load %arg5[%get3A] {strides = array<i32>} : memref<64xf32, #tpu.memory_space<vmem>>, vector<16xf32>,
    %get3A_4 = arith.constant 16 : index
    %get3A_5 = tpu.vector_load %arg5[%get3A_4] {strides = array<i32>} : memref<64xf32, #tpu.memory_space<vmem>>, vector<16xf32>,
    %get3A_6 = arith.constant 32 : index
    %get3A_7 = tpu.vector_load %arg5[%get3A_6] {strides = array<i32>} : memref<64xf32, #tpu.memory_space<vmem>>, vector<16xf32>,
    %get3A_8 = arith.constant 48 : index
    %get3A_9 = tpu.vector_load %arg5[%get3A_8] {strides = array<i32>} : memref<64xf32, #tpu.memory_space<vmem>>, vector<16xf32>,
    %parallel_loop3A = arith.constant 0 : i32
    %parallel_loop3A_10 = arith.constant 4096 : i32
    %parallel_loop3A_11 = arith.constant 16 : i32
    scf.for %parallel_loop3A_23 = %parallel_loop3A to %parallel_loop3A_10 step %parallel_loop3A_11  : i32 {
      %parallel_loop3A_24 = arith.constant 0.000000e+00 : f32
      %parallel_loop3A_25 = vector.broadcast %parallel_loop3A_24 : f32 to vector<16xf32>
      %parallel_loop3A_26 = arith.index_cast %parallel_loop3A_23 : i32 to index
      %parallel_loop3A_27 = tpu.vector_load %arg8[%parallel_loop3A_26] {strides = array<i32>} : memref<4096xf32, #tpu.memory_space<vmem>>, vector<16xf32>,
      tpu.vector_store %arg8[%parallel_loop3A_26], %parallel_loop3A_25 {strides = array<i32>} : memref<4096xf32, #tpu.memory_space<vmem>>, vector<16xf32>,
    } {sc.loop_unroll_factor = 8 : i64, sc.parallel_access}
    %broadcast_in_dim3A = arith.constant 1.000000e+00 : f32
    %broadcast_in_dim3A_12 = vector.broadcast %broadcast_in_dim3A : f32 to vector<16xf32>
    %add3A_13 = arith.constant 0 : i32
    %add3A_14 = arith.addi %mul3A_2, %add3A_13 : i32
    %dma_start3A = tpu.memref_slice %arg2[%add3A_14] : memref<16777216xf32, #tpu.memory_space<hbm>> -> memref<8192xf32, #tpu.memory_space<hbm>>
    %dma_start3A_15 = tpu.memref_slice %arg2[%add3A_14] : memref<16777216xf32, #tpu.memory_space<hbm>> -> memref<8192xf32, #tpu.memory_space<hbm>>
    tpu.enqueue_dma source(%dma_start3A_15 : memref<8192xf32, #tpu.memory_space<hbm>>) target(%arg6 : memref<8192xf32, #tpu.memory_space<vmem>>) target_semaphore(%arg9 : memref<!tpu.dma_semaphore, #tpu.memory_space<semaphore_mem>>)
    %scan3A = arith.constant 0 : i32
    %scan3A_16 = arith.constant 0 : i32
    %scan3A_17 = arith.constant 32 : i32
    %scan3A_18 = arith.addi %scan3A_16, %scan3A_17 : i32
    %scan3A_19 = arith.constant 1 : i32
    scf.for %scan3A_23 = %scan3A_16 to %scan3A_18 step %scan3A_19  : i32 {
      %mul3A_24 = arith.constant 2 : i32
      %mul3A_25 = arith.muli %mul3A_24, %scan3A_23 : i32
      %mul3A_26 = arith.constant 8192 : i32
      %mul3A_27 = arith.muli %mul3A_25, %mul3A_26 : i32
      %add3A_28 = arith.addi %mul3A_2, %mul3A_27 : i32
      %dma_wait3A = tpu.memref_slice %arg2[%add3A_28] : memref<16777216xf32, #tpu.memory_space<hbm>> -> memref<8192xf32, #tpu.memory_space<hbm>>
      %dma_wait3A_29 = tpu.memref_slice %arg2[%add3A_28] : memref<16777216xf32, #tpu.memory_space<hbm>> -> memref<8192xf32, #tpu.memory_space<hbm>>
      tpu.wait_dma2 semaphore(%arg9 : memref<!tpu.dma_semaphore, #tpu.memory_space<semaphore_mem>>) src(%dma_wait3A_29 : memref<8192xf32, #tpu.memory_space<hbm>>) dst(%arg6 : memref<8192xf32, #tpu.memory_space<vmem>>)
      %add3A_30 = arith.constant 1 : i32
      %add3A_31 = arith.addi %mul3A_25, %add3A_30 : i32
      %mul3A_32 = arith.constant 8192 : i32
      %mul3A_33 = arith.muli %add3A_31, %mul3A_32 : i32
      %add3A_34 = arith.addi %mul3A_2, %mul3A_33 : i32
      %dma_start3A_35 = tpu.memref_slice %arg2[%add3A_34] : memref<16777216xf32, #tpu.memory_space<hbm>> -> memref<8192xf32, #tpu.memory_space<hbm>>
      %dma_start3A_36 = tpu.memref_slice %arg2[%add3A_34] : memref<16777216xf32, #tpu.memory_space<hbm>> -> memref<8192xf32, #tpu.memory_space<hbm>>
      tpu.enqueue_dma source(%dma_start3A_36 : memref<8192xf32, #tpu.memory_space<hbm>>) target(%arg7 : memref<8192xf32, #tpu.memory_space<vmem>>) target_semaphore(%arg10 : memref<!tpu.dma_semaphore, #tpu.memory_space<semaphore_mem>>)
      %parallel_loop3A_37 = arith.constant 0 : i32
      %parallel_loop3A_38 = arith.constant 8192 : i32
      %parallel_loop3A_39 = arith.constant 16 : i32
      scf.for %parallel_loop3A_54 = %parallel_loop3A_37 to %parallel_loop3A_38 step %parallel_loop3A_39  : i32 {
        %parallel_loop3A_55 = arith.index_cast %parallel_loop3A_54 : i32 to index
        %parallel_loop3A_56 = tpu.vector_load %arg6[%parallel_loop3A_55] {strides = array<i32>} : memref<8192xf32, #tpu.memory_space<vmem>>, vector<16xf32>,
        %parallel_loop3A_57 = arith.subf %parallel_loop3A_56, %get3A_3 : vector<16xf32>
        %parallel_loop3A_58 = arith.mulf %parallel_loop3A_57, %get3A_5 : vector<16xf32>
        %parallel_loop3A_59 = arith.fptosi %parallel_loop3A_58 : vector<16xf32> to vector<16xi32>
        %parallel_loop3A_60 = arith.constant 0 : i32
        %parallel_loop3A_61 = arith.constant 4095 : i32
        %parallel_loop3A_62 = vector.broadcast %parallel_loop3A_60 : i32 to vector<16xi32>
        %parallel_loop3A_63 = arith.maxsi %parallel_loop3A_62, %parallel_loop3A_59 : vector<16xi32>
        %parallel_loop3A_64 = vector.broadcast %parallel_loop3A_61 : i32 to vector<16xi32>
        %parallel_loop3A_65 = arith.minsi %parallel_loop3A_64, %parallel_loop3A_63 : vector<16xi32>
        %parallel_loop3A_66 = arith.cmpf oge, %parallel_loop3A_56, %get3A_7 : vector<16xf32>
        %parallel_loop3A_67 = arith.cmpf olt, %parallel_loop3A_56, %get3A_9 : vector<16xf32>
        %parallel_loop3A_68 = arith.andi %parallel_loop3A_66, %parallel_loop3A_67 : vector<16xi1>
        tpu.vector_store_idx %arg8[%parallel_loop3A_65], %broadcast_in_dim3A_12 masked %parallel_loop3A_68 {add = true} : memref<4096xf32, #tpu.memory_space<vmem>>[vector<16xi32>], vector<16xf32>, vector<16xi1>
      } {sc.loop_unroll_factor = 8 : i64, sc.parallel_access}
      %add3A_40 = arith.constant 1 : i32
      %add3A_41 = arith.addi %mul3A_25, %add3A_40 : i32
      %mul3A_42 = arith.constant 8192 : i32
      %mul3A_43 = arith.muli %add3A_41, %mul3A_42 : i32
      %add3A_44 = arith.addi %mul3A_2, %mul3A_43 : i32
      %dma_wait3A_45 = tpu.memref_slice %arg2[%add3A_44] : memref<16777216xf32, #tpu.memory_space<hbm>> -> memref<8192xf32, #tpu.memory_space<hbm>>
      %dma_wait3A_46 = tpu.memref_slice %arg2[%add3A_44] : memref<16777216xf32, #tpu.memory_space<hbm>> -> memref<8192xf32, #tpu.memory_space<hbm>>
      tpu.wait_dma2 semaphore(%arg10 : memref<!tpu.dma_semaphore, #tpu.memory_space<semaphore_mem>>) src(%dma_wait3A_46 : memref<8192xf32, #tpu.memory_space<hbm>>) dst(%arg7 : memref<8192xf32, #tpu.memory_space<vmem>>)
      %add3A_47 = arith.constant 1 : i32
      %add3A_48 = arith.addi %scan3A_23, %add3A_47 : i32
      %lt3A = arith.constant 32 : i32
      %lt3A_49 = arith.cmpi slt, %add3A_48, %lt3A : i32
      %convert_element_type3A = arith.extui %lt3A_49 : i1 to i32
      %cond3A = arith.constant 0 : i32
      %cond3A_50 = arith.cmpi ne, %convert_element_type3A, %cond3A : i32
      scf.if %cond3A_50 {
        %add3A_54 = arith.constant 2 : i32
        %add3A_55 = arith.addi %mul3A_25, %add3A_54 : i32
        %mul3A_56 = arith.constant 8192 : i32
        %mul3A_57 = arith.muli %add3A_55, %mul3A_56 : i32
        %add3A_58 = arith.addi %mul3A_2, %mul3A_57 : i32
        %dma_start3A_59 = tpu.memref_slice %arg2[%add3A_58] : memref<16777216xf32, #tpu.memory_space<hbm>> -> memref<8192xf32, #tpu.memory_space<hbm>>
        %dma_start3A_60 = tpu.memref_slice %arg2[%add3A_58] : memref<16777216xf32, #tpu.memory_space<hbm>> -> memref<8192xf32, #tpu.memory_space<hbm>>
        tpu.enqueue_dma source(%dma_start3A_60 : memref<8192xf32, #tpu.memory_space<hbm>>) target(%arg6 : memref<8192xf32, #tpu.memory_space<vmem>>) target_semaphore(%arg9 : memref<!tpu.dma_semaphore, #tpu.memory_space<semaphore_mem>>)
      } else {
      }
      %parallel_loop3A_51 = arith.constant 0 : i32
      %parallel_loop3A_52 = arith.constant 8192 : i32
      %parallel_loop3A_53 = arith.constant 16 : i32
      scf.for %parallel_loop3A_54 = %parallel_loop3A_51 to %parallel_loop3A_52 step %parallel_loop3A_53  : i32 {
        %parallel_loop3A_55 = arith.index_cast %parallel_loop3A_54 : i32 to index
        %parallel_loop3A_56 = tpu.vector_load %arg7[%parallel_loop3A_55] {strides = array<i32>} : memref<8192xf32, #tpu.memory_space<vmem>>, vector<16xf32>,
        %parallel_loop3A_57 = arith.subf %parallel_loop3A_56, %get3A_3 : vector<16xf32>
        %parallel_loop3A_58 = arith.mulf %parallel_loop3A_57, %get3A_5 : vector<16xf32>
        %parallel_loop3A_59 = arith.fptosi %parallel_loop3A_58 : vector<16xf32> to vector<16xi32>
        %parallel_loop3A_60 = arith.constant 0 : i32
        %parallel_loop3A_61 = arith.constant 4095 : i32
        %parallel_loop3A_62 = vector.broadcast %parallel_loop3A_60 : i32 to vector<16xi32>
        %parallel_loop3A_63 = arith.maxsi %parallel_loop3A_62, %parallel_loop3A_59 : vector<16xi32>
        %parallel_loop3A_64 = vector.broadcast %parallel_loop3A_61 : i32 to vector<16xi32>
        %parallel_loop3A_65 = arith.minsi %parallel_loop3A_64, %parallel_loop3A_63 : vector<16xi32>
        %parallel_loop3A_66 = arith.cmpf oge, %parallel_loop3A_56, %get3A_7 : vector<16xf32>
        %parallel_loop3A_67 = arith.cmpf olt, %parallel_loop3A_56, %get3A_9 : vector<16xf32>
        %parallel_loop3A_68 = arith.andi %parallel_loop3A_66, %parallel_loop3A_67 : vector<16xi1>
        tpu.vector_store_idx %arg8[%parallel_loop3A_65], %broadcast_in_dim3A_12 masked %parallel_loop3A_68 {add = true} : memref<4096xf32, #tpu.memory_space<vmem>>[vector<16xi32>], vector<16xf32>, vector<16xi1>
      } {sc.loop_unroll_factor = 8 : i64, sc.parallel_access}
    }
    %scan3A_20 = arith.constant 32 : i32
    %mul3A_21 = arith.constant 4096 : i32
    %mul3A_22 = arith.muli %add3A, %mul3A_21 : i32
    "tpu.region"() ({
      %run_scoped3A = tpu.sem_alloc : memref<!tpu.dma_semaphore, #tpu.memory_space<semaphore_mem>>
      %dma_start3A_23 = tpu.memref_slice %arg4[%mul3A_22] : memref<131072xf32, #tpu.memory_space<hbm>> -> memref<4096xf32, #tpu.memory_space<hbm>>
      %dma_start3A_24 = tpu.memref_slice %arg4[%mul3A_22] : memref<131072xf32, #tpu.memory_space<hbm>> -> memref<4096xf32, #tpu.memory_space<hbm>>
      tpu.enqueue_dma source(%arg8 : memref<4096xf32, #tpu.memory_space<vmem>>) target(%dma_start3A_24 : memref<4096xf32, #tpu.memory_space<hbm>>) target_semaphore(%run_scoped3A : memref<!tpu.dma_semaphore, #tpu.memory_space<semaphore_mem>>)
      %dma_wait3A = tpu.memref_slice %arg4[%mul3A_22] : memref<131072xf32, #tpu.memory_space<hbm>> -> memref<4096xf32, #tpu.memory_space<hbm>>
      %dma_wait3A_25 = tpu.memref_slice %arg4[%mul3A_22] : memref<131072xf32, #tpu.memory_space<hbm>> -> memref<4096xf32, #tpu.memory_space<hbm>>
      tpu.wait_dma2 semaphore(%run_scoped3A : memref<!tpu.dma_semaphore, #tpu.memory_space<semaphore_mem>>) src(%arg8 : memref<4096xf32, #tpu.memory_space<vmem>>) dst(%dma_wait3A_25 : memref<4096xf32, #tpu.memory_space<hbm>>)
      tpu.yield
    }) : () -> ()
    return
  }
}

module attributes {stable_mosaic.version = 14 : i64} {
  func.func @_scores_body(%arg0: i32, %arg1: memref<128x64xf32, #tpu.memory_space<vmem>>, %arg2: memref<4096x64xf32, #tpu.memory_space<vmem>>, %arg3: memref<524288xf32, #tpu.memory_space<vmem>>) attributes {dimension_semantics = [#tpu.dimension_semantics<arbitrary>], iteration_bounds = array<i64: 32>, scalar_prefetch = 0 : i64, scratch_operands = 0 : i64, tpu.core_type = #tpu.core_type<tc>, window_params = [{transform_indices = @transform_0, window_bounds = array<i64: 128, 64>}, {pipeline_mode = #tpu.pipeline_mode<synchronous>, transform_indices = @transform_1, window_bounds = array<i64: 4096, 64>}, {transform_indices = @transform_2, window_bounds = array<i64: 524288>}]} {
    %get3A = arith.constant 0 : index
    %get3A_0 = arith.constant 0 : index
    %get3A_1 = vector.load %arg1[%get3A, %get3A_0] : memref<128x64xf32, #tpu.memory_space<vmem>>, vector<128x64xf32>
    %get3A_2 = arith.constant 0 : index
    %get3A_3 = arith.constant 0 : index
    %get3A_4 = vector.load %arg2[%get3A_2, %get3A_3] : memref<4096x64xf32, #tpu.memory_space<vmem>>, vector<4096x64xf32>
    %dot_general3A = arith.constant dense<0.000000e+00> : vector<128x4096xf32>
    %dot_general3A_5 = tpu.matmul %get3A_1, %get3A_4, %dot_general3A {dimension_numbers = #tpu.dot_dimension_numbers<[1], [1], [0], [0], [0, 0, 1, 0], [], []>, transpose_lhs_hint = false} : vector<128x64xf32>, vector<4096x64xf32>, vector<128x4096xf32> -> vector<128x4096xf32>
    %mul3A = arith.constant -2.000000e+00 : f32
    %mul3A_6 = vector.broadcast %mul3A : f32 to vector<128x4096xf32>
    %mul3A_7 = arith.mulf %mul3A_6, %dot_general3A_5 : vector<128x4096xf32>
    %exp3A = math.exp %mul3A_7 : vector<128x4096xf32>
    %add3A = arith.constant 1.000000e+00 : f32
    %add3A_8 = vector.broadcast %add3A : f32 to vector<128x4096xf32>
    %add3A_9 = arith.addf %add3A_8, %exp3A : vector<128x4096xf32>
    %div3A = arith.constant 1.000000e+00 : f32
    %div3A_10 = vector.broadcast %div3A : f32 to vector<128x4096xf32>
    %div3A_11 = arith.divf %div3A_10, %add3A_9 : vector<128x4096xf32>
    %reshape3A = vector.shape_cast %div3A_11 : vector<128x4096xf32> to vector<524288xf32>
    %swap3A = arith.constant 0 : index
    %swap3A_12 = vector.load %arg3[%swap3A] : memref<524288xf32, #tpu.memory_space<vmem>>, vector<524288xf32>
    tpu.vector_store %arg3[%swap3A], %reshape3A {strides = array<i32>} : memref<524288xf32, #tpu.memory_space<vmem>>, vector<524288xf32>,
    return
  }
  func.func @transform_0(%arg0: i32) -> (i32, i32) {
    %c0_i32 = arith.constant 0 : i32
    %c0_i32_0 = arith.constant 0 : i32
    return %arg0, %c0_i32 : i32, i32
  }
  func.func @transform_1(%arg0: i32) -> (i32, i32) {
    %c0_i32 = arith.constant 0 : i32
    %c0_i32_0 = arith.constant 0 : i32
    %c0_i32_1 = arith.constant 0 : i32
    return %c0_i32, %c0_i32_0 : i32, i32
  }
  func.func @transform_2(%arg0: i32) -> i32 {
    %c0_i32 = arith.constant 0 : i32
    return %arg0 : i32
  }
}

module attributes {stable_mosaic.version = 14 : i64} {
  func.func @_nodevec_body(%arg0: memref<4096x128xf32, #tpu.memory_space<vmem>>, %arg1: memref<64x128xf32, #tpu.memory_space<vmem>>, %arg2: memref<1x64xf32, #tpu.memory_space<vmem>>, %arg3: memref<64x128xf32, #tpu.memory_space<vmem>>, %arg4: memref<1x64xf32, #tpu.memory_space<vmem>>, %arg5: memref<4096x64xf32, #tpu.memory_space<vmem>>, %arg6: memref<4096x64xf32, #tpu.memory_space<vmem>>) attributes {dimension_semantics = [], scalar_prefetch = 0 : i64, scratch_operands = 0 : i64, tpu.core_type = #tpu.core_type<tc>} {
    %get3A = arith.constant 0 : index
    %get3A_0 = arith.constant 0 : index
    %get3A_1 = vector.load %arg0[%get3A, %get3A_0] : memref<4096x128xf32, #tpu.memory_space<vmem>>, vector<4096x128xf32>
    %get3A_2 = arith.constant 0 : index
    %get3A_3 = arith.constant 0 : index
    %get3A_4 = vector.load %arg1[%get3A_2, %get3A_3] : memref<64x128xf32, #tpu.memory_space<vmem>>, vector<64x128xf32>
    %dot_general3A = arith.constant dense<0.000000e+00> : vector<4096x64xf32>
    %dot_general3A_5 = tpu.matmul %get3A_1, %get3A_4, %dot_general3A {dimension_numbers = #tpu.dot_dimension_numbers<[1], [1], [0], [0], [0, 0, 1, 0], [], []>, transpose_lhs_hint = false} : vector<4096x128xf32>, vector<64x128xf32>, vector<4096x64xf32> -> vector<4096x64xf32>
    %get3A_6 = arith.constant 0 : index
    %get3A_7 = arith.constant 0 : index
    %get3A_8 = vector.load %arg3[%get3A_6, %get3A_7] : memref<64x128xf32, #tpu.memory_space<vmem>>, vector<64x128xf32>
    %dot_general3A_9 = arith.constant dense<0.000000e+00> : vector<4096x64xf32>
    %dot_general3A_10 = tpu.matmul %get3A_1, %get3A_8, %dot_general3A_9 {dimension_numbers = #tpu.dot_dimension_numbers<[1], [1], [0], [0], [0, 0, 1, 0], [], []>, transpose_lhs_hint = false} : vector<4096x128xf32>, vector<64x128xf32>, vector<4096x64xf32> -> vector<4096x64xf32>
    %get3A_11 = arith.constant 0 : index
    %get3A_12 = arith.constant 0 : index
    %get3A_13 = vector.load %arg2[%get3A_11, %get3A_12] : memref<1x64xf32, #tpu.memory_space<vmem>>, vector<1x64xf32>
    %add3A = vector.broadcast %get3A_13 : vector<1x64xf32> to vector<4096x64xf32>
    %add3A_14 = arith.addf %dot_general3A_5, %add3A : vector<4096x64xf32>
    %mul3A = arith.constant 1.000000e-01 : f32
    %mul3A_15 = vector.broadcast %mul3A : f32 to vector<4096x64xf32>
    %mul3A_16 = arith.mulf %mul3A_15, %add3A_14 : vector<4096x64xf32>
    %tanh3A = math.tanh %mul3A_16 : vector<4096x64xf32>
    %swap3A = arith.constant 0 : index
    %swap3A_17 = arith.constant 0 : index
    %swap3A_18 = vector.load %arg5[%swap3A, %swap3A_17] : memref<4096x64xf32, #tpu.memory_space<vmem>>, vector<4096x64xf32>
    tpu.vector_store %arg5[%swap3A, %swap3A_17], %tanh3A {strides = array<i32>} : memref<4096x64xf32, #tpu.memory_space<vmem>>, vector<4096x64xf32>,
    %get3A_19 = arith.constant 0 : index
    %get3A_20 = arith.constant 0 : index
    %get3A_21 = vector.load %arg4[%get3A_19, %get3A_20] : memref<1x64xf32, #tpu.memory_space<vmem>>, vector<1x64xf32>
    %add3A_22 = vector.broadcast %get3A_21 : vector<1x64xf32> to vector<4096x64xf32>
    %add3A_23 = arith.addf %dot_general3A_10, %add3A_22 : vector<4096x64xf32>
    %mul3A_24 = arith.constant 1.000000e-01 : f32
    %mul3A_25 = vector.broadcast %mul3A_24 : f32 to vector<4096x64xf32>
    %mul3A_26 = arith.mulf %mul3A_25, %add3A_23 : vector<4096x64xf32>
    %tanh3A_27 = math.tanh %mul3A_26 : vector<4096x64xf32>
    %swap3A_28 = arith.constant 0 : index
    %swap3A_29 = arith.constant 0 : index
    %swap3A_30 = vector.load %arg6[%swap3A_28, %swap3A_29] : memref<4096x64xf32, #tpu.memory_space<vmem>>, vector<4096x64xf32>
    tpu.vector_store %arg6[%swap3A_28, %swap3A_29], %tanh3A_27 {strides = array<i32>} : memref<4096x64xf32, #tpu.memory_space<vmem>>, vector<4096x64xf32>,
    return
  }
}

module attributes {stable_mosaic.version = 14 : i64} {
  func.func @_mask_body(%arg0: i32, %arg1: memref<1x1xf32, #tpu.memory_space<vmem>>, %arg2: memref<128x64xf32, #tpu.memory_space<vmem>>, %arg3: memref<4096x64xf32, #tpu.memory_space<vmem>>, %arg4: memref<128x4096xf32, #tpu.memory_space<vmem>>) attributes {dimension_semantics = [#tpu.dimension_semantics<arbitrary>], iteration_bounds = array<i64: 32>, scalar_prefetch = 0 : i64, scratch_operands = 0 : i64, tpu.core_type = #tpu.core_type<tc>, window_params = [{pipeline_mode = #tpu.pipeline_mode<synchronous>, transform_indices = @transform_0, window_bounds = array<i64: 1, 1>}, {transform_indices = @transform_1, window_bounds = array<i64: 128, 64>}, {pipeline_mode = #tpu.pipeline_mode<synchronous>, transform_indices = @transform_2, window_bounds = array<i64: 4096, 64>}, {transform_indices = @transform_3, window_bounds = array<i64: 128, 4096>}]} {
    %get3A = arith.constant 0 : index
    %get3A_0 = arith.constant 0 : index
    %get3A_1 = vector.load %arg1[%get3A, %get3A_0] : memref<1x1xf32, #tpu.memory_space<vmem>>, vector<1x1xf32>
    %get3A_2 = vector.extract %get3A_1[0, 0] : f32 from vector<1x1xf32>
    %get3A_3 = arith.constant 0 : index
    %get3A_4 = arith.constant 0 : index
    %get3A_5 = vector.load %arg2[%get3A_3, %get3A_4] : memref<128x64xf32, #tpu.memory_space<vmem>>, vector<128x64xf32>
    %get3A_6 = arith.constant 0 : index
    %get3A_7 = arith.constant 0 : index
    %get3A_8 = vector.load %arg3[%get3A_6, %get3A_7] : memref<4096x64xf32, #tpu.memory_space<vmem>>, vector<4096x64xf32>
    %dot_general3A = arith.constant dense<0.000000e+00> : vector<128x4096xf32>
    %dot_general3A_9 = tpu.matmul %get3A_5, %get3A_8, %dot_general3A {dimension_numbers = #tpu.dot_dimension_numbers<[1], [1], [0], [0], [0, 0, 1, 0], [], []>, transpose_lhs_hint = false} : vector<128x64xf32>, vector<4096x64xf32>, vector<128x4096xf32> -> vector<128x4096xf32>
    %mul3A = arith.constant -2.000000e+00 : f32
    %mul3A_10 = vector.broadcast %mul3A : f32 to vector<128x4096xf32>
    %mul3A_11 = arith.mulf %mul3A_10, %dot_general3A_9 : vector<128x4096xf32>
    %exp3A = math.exp %mul3A_11 : vector<128x4096xf32>
    %add3A = arith.constant 1.000000e+00 : f32
    %add3A_12 = vector.broadcast %add3A : f32 to vector<128x4096xf32>
    %add3A_13 = arith.addf %add3A_12, %exp3A : vector<128x4096xf32>
    %div3A = arith.constant 1.000000e+00 : f32
    %div3A_14 = vector.broadcast %div3A : f32 to vector<128x4096xf32>
    %div3A_15 = arith.divf %div3A_14, %add3A_13 : vector<128x4096xf32>
    %ge3A = vector.broadcast %get3A_2 : f32 to vector<128x4096xf32>
    %ge3A_16 = arith.cmpf oge, %div3A_15, %ge3A : vector<128x4096xf32>
    %jit3A = arith.constant 0.000000e+00 : f32
    %broadcast_in_dim3A = vector.broadcast %jit3A : f32 to vector<128x4096xf32>
    %select_n3A = arith.select %ge3A_16, %div3A_15, %broadcast_in_dim3A : vector<128x4096xi1>, vector<128x4096xf32>
    %iota3A = tpu.iota {dimensions = array<i32: 0>} : vector<128x4096xi32>
    %iota3A_17 = tpu.iota {dimensions = array<i32: 1>} : vector<128x4096xi32>
    %mul3A_18 = arith.constant 128 : i32
    %mul3A_19 = arith.muli %arg0, %mul3A_18 : i32
    %add3A_20 = vector.broadcast %mul3A_19 : i32 to vector<128x4096xi32>
    %add3A_21 = arith.addi %iota3A, %add3A_20 : vector<128x4096xi32>
    %eq3A = arith.cmpi eq, %iota3A_17, %add3A_21 : vector<128x4096xi32>
    %max3A = arith.constant 5.000000e-01 : f32
    %max3A_22 = vector.broadcast %max3A : f32 to vector<128x4096xf32>
    %max3A_23 = arith.maximumf %select_n3A, %max3A_22 : vector<128x4096xf32>
    %select_n3A_24 = arith.select %eq3A, %max3A_23, %select_n3A : vector<128x4096xi1>, vector<128x4096xf32>
    %swap3A = arith.constant 0 : index
    %swap3A_25 = arith.constant 0 : index
    %swap3A_26 = vector.load %arg4[%swap3A, %swap3A_25] : memref<128x4096xf32, #tpu.memory_space<vmem>>, vector<128x4096xf32>
    tpu.vector_store %arg4[%swap3A, %swap3A_25], %select_n3A_24 {strides = array<i32>} : memref<128x4096xf32, #tpu.memory_space<vmem>>, vector<128x4096xf32>,
    return
  }
  func.func @transform_0(%arg0: i32) -> (i32, i32) {
    %c0_i32 = arith.constant 0 : i32
    %c0_i32_0 = arith.constant 0 : i32
    %c0_i32_1 = arith.constant 0 : i32
    return %c0_i32, %c0_i32_0 : i32, i32
  }
  func.func @transform_1(%arg0: i32) -> (i32, i32) {
    %c0_i32 = arith.constant 0 : i32
    %c0_i32_0 = arith.constant 0 : i32
    return %arg0, %c0_i32 : i32, i32
  }
  func.func @transform_2(%arg0: i32) -> (i32, i32) {
    %c0_i32 = arith.constant 0 : i32
    %c0_i32_0 = arith.constant 0 : i32
    %c0_i32_1 = arith.constant 0 : i32
    return %c0_i32, %c0_i32_0 : i32, i32
  }
  func.func @transform_3(%arg0: i32) -> (i32, i32) {
    %c0_i32 = arith.constant 0 : i32
    %c0_i32_0 = arith.constant 0 : i32
    return %arg0, %c0_i32 : i32, i32
  }
}

</mosaic_0001>

<sc_bundles>
// kernel: kernel.10.cloned.1.call-start
scs
__scs_entry_jumppad:
0x0: {  	(pc) =	sbr.rel $0x88, $3  }
0x1: {  	(tag) =	ssettag $0x0;
	lr =	simm.s32 $0x1  }
0x2: {  	[smem:$0x3F9C] =	sst lr;
	_ =	strace $0xD0000000  }
0x3: {  	_ = 	snop  }
0x4: {  	_ = 	snop  }
0x5: {  	_ = 	snop  }
0x6: {  	_ = 	snop  }
0x7: {  	_ = 	snop  }
__scs_overlays_trampoline_lowered:
0x8: {  	[smem:$0x3FAB] =	sst s0  }
0x9: {  	[smem:$0x3FAC] =	sst s1  }
0xa: {  	[smem:$0x3FAD] =	sst s2  }
0xb: {  	[smem:$0x3FAE] =	sst s3  }
0xc: {  	[smem:$0x3FAF] =	sst s4  }
0xd: {  	[smem:$0x3FB0] =	sst s5  }
0xe: {  	[smem:$0x3FB1] =	sst s6  }
0xf: {  	[smem:$0x3FB2] =	sst s7  }
0x10: {  	[smem:$0x3FB3] =	sst s8  }
0x11: {  	[smem:$0x3FB4] =	sst s9;
	s0 =	simm.s32 @!p0 $0x0  }
0x12: {  	s1 =	sld [smem:$0x3F9A];
	s0 =	simm.s32 @p0 $0x1  }
0x13: {  	[smem:$0x3FB5] =	sst s0;
	s0 =	simm.s32 @!p1 $0x0  }
0x14: {  	s2 =	sld [smem:$0x3F99];
	s0 =	simm.s32 @p1 $0x1  }
0x15: {  	[smem:$0x3FB6] =	sst s0;
	s0 =	simm.s32 @!p2 $0x0  }
0x16: {  	s3 =	sld [smem:$0x3FDB];
	s0 =	simm.s32 @p2 $0x1  }
0x17: {  	s4 =	simm.s32 $0x1BF5;
	[smem:$0x3FB8] =	sst s0  }
0x18: {  	s0 =	sld [smem:$0x3F9B];
	_ =	swait.ge [sflag:s4], $0x0  }
0x19: {  	s7 =	sld [smem:$0x3F9C]  }
0x1a: {  	s8 =	sadd.s32 $0xFFFFE003, lr  }
0x1b: {  	s9 =	sadd.s32 $0xFFFFFEF7, lr;
	s5 =	simm.s32 $0xFFFFFFFF;
	p2 =	slt.u32 s8, $0xFFFFF086  }
0x1c: {  	p1 =	slt.u32 s9, $0xF7A;
	s5 =	simm.s32 @!p2 $0x0  }
0x1d: {  	s5 =	simm.s32 @p1 $0x1;
	p0 =	seq.s32 s7, s2  }
0x1e: {  	s7 =	smul.u32 @!p0 $0xF7A, s2;
	p2 =	seq.s32 @!p0 s5, $0x0  }
0x1f: {  	s9 =	smul.u32 $0xF7A, s1;
	s8 =	simm.s32 @!p0 $0x1BF5;
	p2 =	por !p2, p0  }
0x20: {  	[sflag:s8] =	ssyncset.s32 @!p0 $0xFFFFF086;
	s6 =	sadd.s32 @!p0 s3, s7;
	s7 =	simm.s32 @!p0 $0x108  }
0x21: {  	s3 =	sadd.s32 s3, s9;
	s6 =	sadd.s32 @!p0 $0x88, s6;
	s7 =	simm.s32 @p2 $0x1082  }
0x22: {  	[simem:s7], [sflag:s8] =	dma.local @!p0 [hbm:s6], $0xF7A  }
0x23: {  	s9 =	sor.u32 $0xD0000000, s2;
	s6 =	simm.s32 $0x108;
	_ =	swait.ge @!p0 [sflag:s8], $0x0  }
0x24: {  	s3 =	sadd.s32 $0x88, s3;
	s6 =	simm.s32 @!p1 $0x1082;
	[sflag:s4] =	ssyncset.s32 $0xFFFFF086  }
0x25: {  	[simem:s6], [sflag:s4] =	dma.local [hbm:s3], $0xF7A  }
0x26: {  	[smem:$0x3F9C] =	sst s1;
	(tag) =	ssettag s2;
	_ =	strace s9  }
0x27: {  	s1 =	sld [smem:$0x3FAC]  }
0x28: {  	s2 =	sld [smem:$0x3FAD]  }
0x29: {  	s4 =	sld [smem:$0x3FAF]  }
0x2a: {  	p0 =	seq.s32 s5, $0x0;
	s5 =	sld [smem:$0x3FB0]  }
0x2b: {  	s6 =	sld [smem:$0x3FB1]  }
0x2c: {  	s7 =	sld [smem:$0x3FB2]  }
0x2d: {  	s3 =	simm.s32 $0x108;
	s8 =	sld [smem:$0x3FB3]  }
0x2e: {  	s3 =	simm.s32 @!p0 $0x1082;
	s9 =	sld [smem:$0x3FB4]  }
0x2f: {  	lr =	sadd.s32 s0, s3;
	s0 =	sld [smem:$0x3FAB]  }
0x30: {  	s3 =	sld [smem:$0x3FAE]  }
0x31: {  	[smem:$0x3FB7] =	sst s10  }
0x32: {  	s10 =	sld [smem:$0x3FB5];
	_ =	sdelay $0x3  }
0x33: {  	p0 =	seq.s32 s10, $0x1;
	s10 =	sld [smem:$0x3FB7];
	_ =	sdelay $0x3  }
0x34: {  	[smem:$0x3FB7] =	sst s10  }
0x35: {  	s10 =	sld [smem:$0x3FB6];
	_ =	sdelay $0x3  }
0x36: {  	p1 =	seq.s32 s10, $0x1;
	s10 =	sld [smem:$0x3FB7];
	_ =	sdelay $0x3  }
0x37: {  	[smem:$0x3FB7] =	sst s10  }
0x38: {  	s10 =	sld [smem:$0x3FB8]  }
0x39: {  	_ = 	snop;
	(pc) =	sbr.ind lr, $3  }
0x3a: {  	_ = 	snop  }
0x3b: {  	_ = 	snop  }
0x3c: {  	p2 =	seq.s32 s10, $0x1;
	s10 =	sld [smem:$0x3FB7]  }
0x3d: {  	_ =	shalt  }
0x3e: {  	_ =	shalt  }
0x3f: {  	_ =	shalt  }
0x40: {  	_ =	shalt  }
0x41: {  	_ =	shalt  }
0x42: {  	_ =	shalt  }
0x43: {  	_ =	shalt  }
0x44: {  	_ =	shalt  }
0x45: {  	_ =	shalt  }
0x46: {  	_ =	shalt  }
0x47: {  	_ =	shalt  }
0x48: {  	_ =	shalt  }
0x49: {  	_ =	shalt  }
0x4a: {  	_ =	shalt  }
0x4b: {  	_ =	shalt  }
0x4c: {  	_ =	shalt  }
0x4d: {  	_ =	shalt  }
0x4e: {  	_ =	shalt  }
0x4f: {  	_ =	shalt  }
0x50: {  	_ =	shalt  }
0x51: {  	_ =	shalt  }
0x52: {  	_ =	shalt  }
0x53: {  	_ =	shalt  }
0x54: {  	_ =	shalt  }
0x55: {  	_ =	shalt  }
0x56: {  	_ =	shalt  }
0x57: {  	_ =	shalt  }
0x58: {  	_ =	shalt  }
0x59: {  	_ =	shalt  }
0x5a: {  	_ =	shalt  }
0x5b: {  	_ =	shalt  }
0x5c: {  	_ =	shalt  }
0x5d: {  	_ =	shalt  }
0x5e: {  	_ =	shalt  }
0x5f: {  	_ =	shalt  }
0x60: {  	_ =	shalt  }
0x61: {  	_ =	shalt  }
0x62: {  	_ =	shalt  }
0x63: {  	_ =	shalt  }
0x64: {  	_ =	shalt  }
0x65: {  	_ =	shalt  }
0x66: {  	_ =	shalt  }
0x67: {  	_ =	shalt  }
0x68: {  	_ =	shalt  }
0x69: {  	_ =	shalt  }
0x6a: {  	_ =	shalt  }
0x6b: {  	_ =	shalt  }
0x6c: {  	_ =	shalt  }
0x6d: {  	_ =	shalt  }
0x6e: {  	_ =	shalt  }
0x6f: {  	_ =	shalt  }
0x70: {  	_ =	shalt  }
0x71: {  	_ =	shalt  }
0x72: {  	_ =	shalt  }
0x73: {  	_ =	shalt  }
0x74: {  	_ =	shalt  }
0x75: {  	_ =	shalt  }
0x76: {  	_ =	shalt  }
0x77: {  	_ =	shalt  }
0x78: {  	_ =	shalt  }
0x79: {  	_ =	shalt  }
0x7a: {  	_ =	shalt  }
0x7b: {  	_ =	shalt  }
0x7c: {  	_ =	shalt  }
0x7d: {  	_ =	shalt  }
0x7e: {  	_ =	shalt  }
0x7f: {  	_ =	shalt  }
0x80: {  	_ =	shalt  }
0x81: {  	_ =	shalt  }
0x82: {  	_ =	shalt  }
0x83: {  	_ =	shalt  }
0x84: {  	_ =	shalt  }
0x85: {  	_ =	shalt  }
0x86: {  	_ =	shalt  }
0x87: {  	_ =	shalt  }
.Lfunc_end0:
.L_simem_size_0:
called_computation.1_lowered:
.L_overlay_start_0:
0x88: {  	s2 =	sld [smem:$0x3FD9]  }
0x89: {  	s3 =	sld [smem:$0x3FFE];
	_ =	sdelay $0x1  }
0x8a: {  	s1 =	srdreg.scid  }
0x8b: {  	s0 =	sand.u32 $0x1, s1  }
0x8c: {  	s17 =	sshll.u32 s0, $0xA;
	s2 =	sadd.s32 s3, s2  }
0x8d: {  	s2 =	sadd.s32 s2, s17  }
0x8e: {  	[smem:$0x3FC3] =	sst s2  }
0x8f: {  	_ = 	snop  }
0x90: {  	s2 =	sld [smem:$0x3FD0];
	(tm) =	ssettm $0x1  }
0x91: {  	s18 =	sld [smem:$0x3FFB];
	_ =	sdelay $0x3  }
0x92: {  	_ =	strace s18  }
0x93: {  	s3 =	sld [smem:$0x3FFC];
	_ =	sdelay $0x3  }
0x94: {  	_ =	strace s3  }
0x95: {  	s3 =	sld [smem:$0x3FFD];
	_ =	sdelay $0x3  }
0x96: {  	_ =	strace s3  }
0x97: {  	_ =	strace $0x8FFFFFFF  }
0x98: {  	s19 =	sld [smem:$0x3FDB];
	_ =	sdelay $0x1  }
0x99: {  	s4 =	simm.s32 $_scs_section_size  }
0x9a: {  	s5 =	simm.s32 $_size__tile_overlayer_lowered;
	s6 =	simm.s32 $_tile_overlayer_lowered  }
0x9b: {  	s22 =	simm.s32 $0x1BFF;
	s21 =	sshll.u32 s6, $0x1;
	s3 =	sadd.s32 s4, s19  }
0x9c: {  	s7 =	simm.s32 $0x0;
	s20 =	sshll.u32 s5, $0x1;
	s5 =	sadd.s32 s21, s3  }
0x9d: {  	[timem:s7], [sflag:s22] =	dma.local [hbm:s5], s20  }
0x9e: {  	_ =	swait.ge [sflag:s22], s20  }
0x9f: {  	s4 =	ssub.s32 $0x0, s20;
	[sflag:s22] =	ssyncset.done $0x0  }
0xa0: {  	[sflag:s22] =	ssyncadd.s32 s4;
	_ =	sdelay $0x1  }
0xa1: {  	s23 =	simm.s32 $0x1B8B  }
0xa2: {  	_ =	swait.ge [sflag:s23], $0x1  }
0xa3: {  	[sflag:s23] =	ssyncset.done $0x0  }
0xa4: {  	s25 =	simm.s32 $0x1B8E;
	s24 =	sld [smem:$0x3FFE];
	[sflag:s23] =	ssyncadd.s32 $0xFFFFFFFF  }
0xa5: {  	s26 =	simm.s32 $execute0_lowered;
	[smem:$0x3FD2] =	sst s25  }
0xa6: {  	s5 =	sshll.u32 s26, $0x1;
	_ =	strace $0x80000049;
	[dreg:$0x1] =	wrdreg $0xFFFFFFFF  }
0xa7: {  	s28 =	simm.s32 $_size_execute0_lowered;
	s3 =	sadd.s32 s3, s5;
	[dreg:$0x0] =	wrdreg $0x0  }
0xa8: {  	s5 =	sshll.u32 s28, $0x1;
	[dreg:$0x2] =	wrdreg s3  }
0xa9: {  	[dreg:$0x3] =	wrdreg s5  }
0xaa: {  	[dreg:$0x4] =	wrdreg $0xC0  }
0xab: {  	_ =	task [dreg:s7], $0x5FFFF  }
0xac: {  	[dreg:$0x1] =	wrdreg $0xFFFFFFFF  }
0xad: {  	[dreg:$0x0] =	wrdreg $0x60  }
0xae: {  	[dreg:$0x2] =	wrdreg s2  }
0xaf: {  	[dreg:$0x3] =	wrdreg s24  }
0xb0: {  	[dreg:$0x4] =	wrdreg $0x9  }
0xb1: {  	_ =	task.clear_ibuf [dreg:s7], $0x5FFFF;
	_ =	strace $0x90000049  }
0xb2: {  	s29 =	simm.s32 $0x9;
	_ =	strace $0x8000004B  }
0xb3: {  	_ =	swait.ge [sflag:s29], $0x1  }
0xb4: {  	[sflag:s29] =	ssyncadd.s32 $0xFFFFFFFF  }
0xb5: {  	_ =	strace $0x9000004B  }
0xb6: {  	_ =	sfence  }
0xb7: {  	s30 =	sld [smem:$0x0];
	_ =	sdelay $0x2  }
0xb8: {  	s31 =	sshll.u32 s1, $0xD;
	s1 =	sshrl.u32 s1, $0x2  }
0xb9: {  	s3 =	sand.u32 $0x4000, s31;
	s1 =	sadd.s32 s1, s30  }
0xba: {  	s0 =	sor.u32 s3, s0;
	s1 =	sshll.u32 s1, $0x11  }
0xbb: {  	s0 =	sor.u32 s1, s0  }
0xbc: {  	s0 =	sadd.s32 $0x8F2B, s0  }
0xbd: {  	[sflag:s0] =	ssyncadd.remote.s32 $0x1  }
0xbe: {  	_ =	sfence.sel $0xFFFF  }
0xbf: {  	[dreg:$0x0] =	wrdreg $0xFFFFFFFF;
	(pc) =	sbr.abs _section_cstart, $3  }
0xc0: {  	[dreg:$0x1] =	wrdreg $0xFFFFFFFF  }
0xc1: {  	_ =	task.clear_ibuf [dreg:s7], $0x2FFFF;
	_ =	strace $0x9FFFFFFF  }
0xc2: {  	(tm) =	ssettm $0x7FFFFFFF  }
0xc3: {  	_ =	shalt  }
tec
execute0_lowered:
.L_overlay_start_1:
0x0: {  	(tag) =	ssettag $0x1  }
0x1: {  	s2 =	rddreg [dreg:$0x0]  }
0x2: {  	s5 =	rddreg [dreg:$0x1]  }
0x3: {  	s0 =	rddreg [dreg:$0x2]  }
0x4: {  	s4 =	srdreg.scid;
	s1 =	stileid.u32;
	s3 =	simm.s32 $0x0  }
0x5: {  	s10 =	simm.s32 $0x3;
	s11 =	simm.s32 $0x80;
	s12 =	simm.s32 $0x1  }
0x6: {  	s13 =	simm.s32 $0x2080;
	s14 =	simm.s32 $0x4080;
	s15 =	simm.s32 $0x2  }
0x7: {  	s16 =	simm.s32 $0x0;
	s6 =	sand.u32 $0x1, s4;
	s31 =	sshll.u32 s1, $0x1  }
0x8: {  	[smem:$0x7FF] =	sst s3;
	s7 =	sor.u32 s6, s31;
	s6 =	ssub.s32 $0x2, s6  }
0x9: {  	s4 =	sadd.s32 $0x400, s5;
	s8 =	sshll.u32 s7, $0x9;
	s9 =	sshrl.u32 s6, $0x1  }
0xa: {  	s8 =	sadd.s32 s8, s5;
	s5 =	sshll.u32 s7, $0x13;
	s7 =	sshll.u32 s7, $0x10  }
0xb: {  	_ =	strace $0x8000004A;
	s9 =	ssub.s32 s6, s9;
	s6 =	sadd.s32 s2, s7  }
0xc: {  	v0 =	vimm.f32 $0.0e+00;
	v1 =	vimm.f32 $1.000000000e+00;
	s7 =	sor.u32 $0x4000, s5;
	s8 =	sadd.s32 $0x600, s8;
	s9 =	smax.u32 s9, $0x1  }
.LBB2_1:
0xd: {  	[tilespmem:s3], [sflag:$0x3] =	stream.linear.gather [hbm4b:s4+s3], $0x80, $0x38;
	[tilespmem:$0x5080] =	vst v63  }
0xe: {  	_ =	swait.ge [sflag:s10], $0x80  }
0xf: {  	[sflag:s10] =	ssyncset.done $0x0  }
0x10: {  	[sflag:s10] =	ssyncadd.s32 $0xFFFFFF80  }
0x11: {  	v2 =	vld [tilespmem:$0x0]  }
0x12: {  	v3 =	vld [tilespmem:$0x10]  }
0x13: {  	s17 =	simm.s32 $0x40C0;
	v4 =	vld [tilespmem:$0x20]  }
0x14: {  	v5 =	vld [tilespmem:$0x30];
	[tilespmem:s17+$0xFFFFFFC0] =	vst v0  }
0x15: {  	[tilespmem:s17+$0x30] =	vst v0  }
0x16: {  	[tilespmem:s17+$0x20] =	vst v0  }
0x17: {  	[tilespmem:s17+$0x10] =	vst v0  }
0x18: {  	[tilespmem:s17+$0x0] =	vst v0  }
0x19: {  	[tilespmem:s17+$0xFFFFFFF0] =	vst v0  }
0x1a: {  	s18 =	simm.s32 $0x0;
	[tilespmem:s17+$0xFFFFFFE0] =	vst v0  }
.LBB2_2:
0x1b: {  	s18 =	sadd.s32 $0x80, s18;
	[tilespmem:s17+$0xFFFFFFD0] =	vst v0;
	s17 =	sadd.s32 $0x80, s17  }
0x1c: {  	[tilespmem:s17+$0xFFFFFFC0] =	vst v0;
	p0 =	slt.u32 s18, $0xF80  }
0x1d: {  	[tilespmem:s17+$0x30] =	vst v0  }
.Ltmp0:
0x1e: {  	[tilespmem:s17+$0x20] =	vst v0;
	(pc) =	sbr.rel @p0 .LBB2_2-.Ltmp0, $4  }
0x1f: {  	[tilespmem:s17+$0x10] =	vst v0  }
0x20: {  	[tilespmem:s17+$0x0] =	vst v0  }
0x21: {  	[tilespmem:s17+$0xFFFFFFF0] =	vst v0  }
0x22: {  	[tilespmem:s17+$0xFFFFFFE0] =	vst v0  }
0x23: {  	[tilespmem:s17+$0xFFFFFFD0] =	vst v0;
	s17 =	simm.s32 $0x0  }
0x24: {  	[tilespmem:s11], [sflag:$0x1] =	stream.linear.gather [hbm4b:s6+s17], $0x2000, $0x38;
	[tilespmem:$0x5080] =	vst v63  }
.LBB2_5:
0x25: {  	s18 =	sshll.u32 s17, $0xE  }
0x26: {  	s19 =	sor.u32 s18, s5  }
0x27: {  	_ =	swait.ge [sflag:s12], $0x2000;
	s19 =	sshrl.u32 s19, $0x3  }
0x28: {  	[sflag:s12] =	ssyncset.done $0x0;
	s19 =	sadd.s32 s19, s2  }
0x29: {  	s31 =	simm.s32 $0xC0;
	[sflag:s12] =	ssyncadd.s32 $0xFFFFE000;
	s19 =	sadd.s32 $0x400, s19  }
0x2a: {  	[tilespmem:s13], [sflag:$0x2] =	stream.linear.gather [hbm4b:s19+s3], $0x2000, $0x38;
	[tilespmem:$0x5080] =	vst v63  }
0x2b: {  	v7 =	vld [tilespmem:s31+$0x30]  }
0x2c: {  	v6 =	vld [tilespmem:s31+$0xFFFFFFD0]  }
0x2d: {  	v8 =	vld [tilespmem:s31+$0xFFFFFFE0]  }
0x2e: {  	v9 =	vld [tilespmem:s31+$0xFFFFFFF0]  }
0x2f: {  	v14 =	vld [tilespmem:s31+$0x0]  }
0x30: {  	v15 =	vld [tilespmem:s31+$0x10];
	_ =	sdelay $0x1  }
0x31: {  	v13 =	vld [tilespmem:s31+$0xFFFFFFC0];
	v10 =	vsub.f32 v7, v2  }
0x32: {  	v11 =	vsub.f32 v6, v2;
	vm14 =	vge.f32 v6, v4;
	v12 =	vsub.f32 v8, v2  }
0x33: {  	vm2 =	vge.f32 v8, v4;
	vm3 =	vlt.f32 v8, v5;
	v8 =	vsub.f32 v9, v2  }
0x34: {  	vm1 =	vlt.f32 v6, v5;
	v16 =	vsub.f32 v14, v2;
	v17 =	vsub.f32 v15, v2  }
0x35: {  	vm5 =	vge.f32 v7, v4;
	vm6 =	vlt.f32 v7, v5;
	v10 =	vmul.f32 v10, v3  }
0x36: {  	v6 =	vld [tilespmem:s31+$0x20];
	v7 =	vsub.f32 v13, v2;
	v11 =	vmul.f32 v11, v3;
	v12 =	vmul.f32 v12, v3  }
0x37: {  	vm7 =	vlt.f32 v9, v5;
	v8 =	vmul.f32 v8, v3;
	v16 =	vmul.f32 v16, v3  }
0x38: {  	vm8 =	vge.f32 v14, v4;
	v17 =	vmul.f32 v17, v3;
	v7 =	vmul.f32 v7, v3  }
0x39: {  	vm9 =	vmand vm5, vm6;
	v10 =	vtrunc.f32 v10;
	v11 =	vtrunc.f32 v11  }
0x3a: {  	vm6 =	vlt.f32 v13, v5;
	v8 =	vtrunc.f32 v8;
	v7 =	vtrunc.f32 v7  }
0x3b: {  	v10 =	vcvt.f32.s32 v10;
	v18 =	vsub.f32 v6, v2;
	v7 =	vcvt.f32.s32 v7  }
0x3c: {  	vm5 =	vge.f32 v9, v4;
	v11 =	vcvt.f32.s32 v11;
	v8 =	vcvt.f32.s32 v8  }
0x3d: {  	vm4 =	vgt.s32 v10, $0x0;
	v18 =	vmul.f32 v18, v3;
	vm10 =	vgt.s32 v7, $0x0  }
0x3e: {  	v10 =	vnsel vm4, $0x0, v10;
	vm4 =	vge.f32 v13, v4;
	v13 =	vtrunc.f32 v17  }
0x3f: {  	v19 =	vmin.u32 v10, $0xFFF;
	v10 =	vtrunc.f32 v12;
	v12 =	vtrunc.f32 v16  }
0x40: {  	vm11 =	vgt.s32 v11, $0x0;
	v9 =	vtrunc.f32 v18;
	v17 =	vcvt.f32.s32 v13  }
0x41: {  	vm13 =	vgt.s32 v8, $0x0;
	v10 =	vcvt.f32.s32 v10;
	v16 =	vcvt.f32.s32 v12  }
0x42: {  	v11 =	vnsel vm11, $0x0, v11;
	v13 =	vnsel vm10, $0x0, v7;
	v18 =	vcvt.f32.s32 v9  }
0x43: {  	vm11 =	vgt.s32 v17, $0x0;
	vm12 =	vgt.s32 v10, $0x0;
	vm10 =	vgt.s32 v16, $0x0  }
0x44: {  	v12 =	vnsel vm12, $0x0, v10;
	vm12 =	vgt.s32 v18, $0x0;
	v10 =	vnsel vm13, $0x0, v8  }
0x45: {  	v9 =	vnsel vm10, $0x0, v16;
	v8 =	vnsel vm11, $0x0, v17;
	vm10 =	vlt.f32 v14, v5  }
0x46: {  	s20 =	simm.s32 $0x140;
	s19 =	simm.s32 $0x0;
	vm11 =	vlt.f32 v15, v5;
	[tilespmem:v19+s14+$0x0] =	vst.idx.add.f32.msk vm9, v1;
	v7 =	vnsel vm12, $0x0, v18;
	vm9 =	vge.f32 v15, v4  }
.LBB2_6:
0x47: {  	v13 =	vmin.u32 v13, $0xFFF  }
0x48: {  	v14 =	vld [tilespmem:s20+$0x30];
	s19 =	sadd.s32 $0x80, s19;
	vm12 =	vmmov vm14;
	vm14 =	vge.f32 v6, v4;
	vm15 =	vlt.f32 v6, v5  }
0x49: {  	v11 =	vmin.u32 v11, $0xFFF;
	v12 =	vmin.u32 v12, $0xFFF;
	v10 =	vmin.u32 v10, $0xFFF;
	v6 =	vld [tilespmem:s20+$0xFFFFFFD0];
	p0 =	slt.u32 s19, $0x1F80  }
0x4a: {  	v9 =	vmin.u32 v9, $0xFFF;
	v8 =	vmin.u32 v8, $0xFFF;
	v7 =	vmin.u32 v7, $0xFFF;
	v15 =	vld [tilespmem:s20+$0xFFFFFFE0]  }
0x4b: {  	vm0 =	vmand vm4, vm6;
	vm13 =	vmand vm12, vm1;
	vm12 =	vmand vm2, vm3;
	v16 =	vld [tilespmem:s20+$0xFFFFFFF0]  }
0x4c: {  	vm7 =	vmand vm5, vm7;
	vm6 =	vmand vm8, vm10;
	vm4 =	vmand vm9, vm11;
	v17 =	vld [tilespmem:s20+$0x0]  }
0x4d: {  	vm5 =	vmand vm14, vm15;
	v18 =	vld [tilespmem:s20+$0x10];
	v19 =	vsub.f32 v14, v2  }
0x4e: {  	v20 =	vsub.f32 v6, v2;
	vm14 =	vge.f32 v6, v4;
	vm1 =	vlt.f32 v6, v5;
	v6 =	vld [tilespmem:s20+$0x20]  }
0x4f: {  	v21 =	vld [tilespmem:s20+$0xFFFFFFC0];
	v22 =	vsub.f32 v15, v2;
	vm2 =	vge.f32 v15, v4;
	v19 =	vmul.f32 v19, v3  }
0x50: {  	vm3 =	vlt.f32 v15, v5;
	v20 =	vmul.f32 v20, v3;
	v15 =	vsub.f32 v16, v2  }
0x51: {  	v22 =	vmul.f32 v22, v3;
	v23 =	vsub.f32 v17, v2;
	v19 =	vtrunc.f32 v19;
	[tilespmem:v13+s14+$0x0] =	vst.idx.add.f32.msk vm0, v1  }
0x52: {  	v13 =	vmul.f32 v15, v3;
	v15 =	vsub.f32 v18, v2;
	v19 =	vcvt.f32.s32 v19;
	[tilespmem:v11+s14+$0x0] =	vst.idx.add.f32.msk vm13, v1  }
0x53: {  	v11 =	vtrunc.f32 v20;
	v20 =	vmul.f32 v23, v3;
	v23 =	vsub.f32 v6, v2;
	[tilespmem:v12+s14+$0x0] =	vst.idx.add.f32.msk vm12, v1  }
0x54: {  	vm8 =	vge.f32 v14, v4;
	vm9 =	vlt.f32 v14, v5;
	vm0 =	vgt.s32 v19, $0x0;
	[tilespmem:v10+s14+$0x0] =	vst.idx.add.f32.msk vm7, v1  }
0x55: {  	v10 =	vsub.f32 v21, v2;
	v12 =	vnsel vm0, $0x0, v19;
	vm0 =	vmand vm8, vm9;
	[tilespmem:v9+s14+$0x0] =	vst.idx.add.f32.msk vm6, v1  }
0x56: {  	v9 =	vmul.f32 v15, v3;
	v14 =	vmul.f32 v23, v3;
	v12 =	vmin.u32 v12, $0xFFF;
	[tilespmem:v8+s14+$0x0] =	vst.idx.add.f32.msk vm4, v1  }
0x57: {  	v8 =	vmul.f32 v10, v3;
	vm4 =	vge.f32 v21, v4;
	v10 =	vtrunc.f32 v22;
	[tilespmem:v7+s14+$0x0] =	vst.idx.add.f32.msk vm5, v1  }
0x58: {  	vm6 =	vlt.f32 v21, v5;
	v7 =	vtrunc.f32 v13;
	v13 =	vtrunc.f32 v20  }
0x59: {  	vm5 =	vge.f32 v16, v4;
	v9 =	vtrunc.f32 v9;
	v8 =	vtrunc.f32 v8  }
0x5a: {  	vm7 =	vlt.f32 v16, v5;
	v14 =	vtrunc.f32 v14;
	v8 =	vcvt.f32.s32 v8  }
0x5b: {  	v11 =	vcvt.f32.s32 v11;
	vm8 =	vge.f32 v17, v4;
	v10 =	vcvt.f32.s32 v10;
	[tilespmem:v12+s14+$0x0] =	vst.idx.add.f32.msk vm0, v1  }
0x5c: {  	v7 =	vcvt.f32.s32 v7;
	v15 =	vcvt.f32.s32 v13;
	vm0 =	vgt.s32 v8, $0x0  }
0x5d: {  	vm9 =	vgt.s32 v11, $0x0;
	v16 =	vcvt.f32.s32 v9;
	v14 =	vcvt.f32.s32 v14  }
.Ltmp1:
0x5e: {  	vm10 =	vgt.s32 v10, $0x0;
	vm11 =	vgt.s32 v7, $0x0;
	vm12 =	vgt.s32 v15, $0x0;
	(pc) =	sbr.rel @p0 .LBB2_6-.Ltmp1, $4  }
0x5f: {  	vm13 =	vgt.s32 v14, $0x0;
	v13 =	vnsel vm0, $0x0, v8;
	vm0 =	vgt.s32 v16, $0x0  }
0x60: {  	v11 =	vnsel vm9, $0x0, v11;
	v12 =	vnsel vm10, $0x0, v10;
	v10 =	vnsel vm11, $0x0, v7  }
0x61: {  	v9 =	vnsel vm12, $0x0, v15;
	v7 =	vnsel vm13, $0x0, v14;
	v8 =	vnsel vm0, $0x0, v16  }
0x62: {  	s20 =	sadd.s32 $0x80, s20;
	vm9 =	vge.f32 v18, v4;
	vm10 =	vlt.f32 v17, v5;
	vm11 =	vlt.f32 v18, v5  }
0x63: {  	vm0 =	vmand vm4, vm6  }
0x64: {  	v13 =	vmin.u32 v13, $0xFFF;
	vm1 =	vmand vm14, vm1  }
0x65: {  	v11 =	vmin.u32 v11, $0xFFF;
	vm2 =	vmand vm2, vm3  }
0x66: {  	v12 =	vmin.u32 v12, $0xFFF;
	vm3 =	vmand vm5, vm7  }
0x67: {  	vm4 =	vge.f32 v6, v4;
	v10 =	vmin.u32 v10, $0xFFF;
	vm5 =	vmand vm8, vm10  }
0x68: {  	vm6 =	vlt.f32 v6, v5;
	v6 =	vmin.u32 v9, $0xFFF;
	vm7 =	vmand vm9, vm11  }
0x69: {  	v8 =	vmin.u32 v8, $0xFFF;
	vm4 =	vmand vm4, vm6;
	[tilespmem:v13+s14+$0x0] =	vst.idx.add.f32.msk vm0, v1  }
0x6a: {  	v7 =	vmin.u32 v7, $0xFFF;
	[tilespmem:v11+s14+$0x0] =	vst.idx.add.f32.msk vm1, v1  }
0x6b: {  	[tilespmem:v12+s14+$0x0] =	vst.idx.add.f32.msk vm2, v1  }
0x6c: {  	[tilespmem:v10+s14+$0x0] =	vst.idx.add.f32.msk vm3, v1  }
0x6d: {  	[tilespmem:v6+s14+$0x0] =	vst.idx.add.f32.msk vm5, v1  }
0x6e: {  	[tilespmem:v8+s14+$0x0] =	vst.idx.add.f32.msk vm7, v1  }
0x6f: {  	p0 =	seq.s32 s17, $0x1F;
	[tilespmem:v7+s14+$0x0] =	vst.idx.add.f32.msk vm4, v1  }
0x70: {  	s31 =	simm.s32 $0x20C0;
	s18 =	sadd.s32 @!p0 s18, s7;
	_ =	swait.ge [sflag:s15], $0x2000  }
0x71: {  	s19 =	simm.s32 @!p0 $0x0;
	s18 =	sshrl.u32 @!p0 s18, $0x3;
	[sflag:s15] =	ssyncset.done $0x0  }
0x72: {  	s20 =	simm.s32 @!p0 $0x80;
	s18 =	sadd.s32 @!p0 s2, s18;
	[sflag:s15] =	ssyncadd.s32 $0xFFFFE000  }
0x73: {  	[tilespmem:s20], [sflag:$0x1] =	stream.linear.gather @!p0 [hbm4b:s18+s19], $0x2000, $0x38;
	[tilespmem:$0x5080] =	vst v63  }
0x74: {  	v7 =	vld [tilespmem:s31+$0x30]  }
0x75: {  	v6 =	vld [tilespmem:s31+$0xFFFFFFD0]  }
0x76: {  	v8 =	vld [tilespmem:s31+$0xFFFFFFE0]  }
0x77: {  	v9 =	vld [tilespmem:s31+$0xFFFFFFF0]  }
0x78: {  	v14 =	vld [tilespmem:s31+$0x0]  }
0x79: {  	v15 =	vld [tilespmem:s31+$0x10];
	_ =	sdelay $0x1  }
0x7a: {  	v13 =	vld [tilespmem:s31+$0xFFFFFFC0];
	v10 =	vsub.f32 v7, v2  }
0x7b: {  	v11 =	vsub.f32 v6, v2;
	vm14 =	vge.f32 v6, v4;
	v12 =	vsub.f32 v8, v2  }
0x7c: {  	vm2 =	vge.f32 v8, v4;
	vm3 =	vlt.f32 v8, v5;
	v8 =	vsub.f32 v9, v2  }
0x7d: {  	vm1 =	vlt.f32 v6, v5;
	v16 =	vsub.f32 v14, v2;
	v17 =	vsub.f32 v15, v2  }
0x7e: {  	vm5 =	vge.f32 v7, v4;
	vm6 =	vlt.f32 v7, v5;
	v10 =	vmul.f32 v10, v3  }
0x7f: {  	v6 =	vld [tilespmem:s31+$0x20];
	v7 =	vsub.f32 v13, v2;
	v11 =	vmul.f32 v11, v3;
	v12 =	vmul.f32 v12, v3  }
0x80: {  	vm7 =	vlt.f32 v9, v5;
	v8 =	vmul.f32 v8, v3;
	v16 =	vmul.f32 v16, v3  }
0x81: {  	vm8 =	vge.f32 v14, v4;
	v17 =	vmul.f32 v17, v3;
	v7 =	vmul.f32 v7, v3  }
0x82: {  	vm9 =	vmand vm5, vm6;
	v10 =	vtrunc.f32 v10;
	v11 =	vtrunc.f32 v11  }
0x83: {  	vm6 =	vlt.f32 v13, v5;
	v8 =	vtrunc.f32 v8;
	v7 =	vtrunc.f32 v7  }
0x84: {  	v10 =	vcvt.f32.s32 v10;
	v18 =	vsub.f32 v6, v2;
	v7 =	vcvt.f32.s32 v7  }
0x85: {  	vm5 =	vge.f32 v9, v4;
	v11 =	vcvt.f32.s32 v11;
	v8 =	vcvt.f32.s32 v8  }
0x86: {  	vm4 =	vgt.s32 v10, $0x0;
	v18 =	vmul.f32 v18, v3;
	vm10 =	vgt.s32 v7, $0x0  }
0x87: {  	v10 =	vnsel vm4, $0x0, v10;
	vm4 =	vge.f32 v13, v4;
	v13 =	vtrunc.f32 v17  }
0x88: {  	v19 =	vmin.u32 v10, $0xFFF;
	v10 =	vtrunc.f32 v12;
	v12 =	vtrunc.f32 v16  }
0x89: {  	vm11 =	vgt.s32 v11, $0x0;
	v9 =	vtrunc.f32 v18;
	v17 =	vcvt.f32.s32 v13  }
0x8a: {  	vm13 =	vgt.s32 v8, $0x0;
	v10 =	vcvt.f32.s32 v10;
	v16 =	vcvt.f32.s32 v12  }
0x8b: {  	v11 =	vnsel vm11, $0x0, v11;
	v13 =	vnsel vm10, $0x0, v7;
	v18 =	vcvt.f32.s32 v9  }
0x8c: {  	vm11 =	vgt.s32 v17, $0x0;
	vm12 =	vgt.s32 v10, $0x0;
	vm10 =	vgt.s32 v16, $0x0  }
0x8d: {  	v12 =	vnsel vm12, $0x0, v10;
	vm12 =	vgt.s32 v18, $0x0;
	v10 =	vnsel vm13, $0x0, v8  }
0x8e: {  	v9 =	vnsel vm10, $0x0, v16;
	v8 =	vnsel vm11, $0x0, v17;
	vm10 =	vlt.f32 v14, v5  }
0x8f: {  	s17 =	sadd.s32 $0x1, s17;
	s18 =	simm.s32 $0x0;
	s19 =	simm.s32 $0x2140;
	vm11 =	vlt.f32 v15, v5;
	[tilespmem:v19+s14+$0x0] =	vst.idx.add.f32.msk vm9, v1;
	v7 =	vnsel vm12, $0x0, v18;
	vm9 =	vge.f32 v15, v4  }
.LBB2_8:
0x90: {  	v13 =	vmin.u32 v13, $0xFFF  }
0x91: {  	v14 =	vld [tilespmem:s19+$0x30];
	s18 =	sadd.s32 $0x80, s18;
	vm12 =	vmmov vm14;
	vm14 =	vge.f32 v6, v4;
	vm15 =	vlt.f32 v6, v5  }
0x92: {  	v11 =	vmin.u32 v11, $0xFFF;
	v12 =	vmin.u32 v12, $0xFFF;
	v10 =	vmin.u32 v10, $0xFFF;
	v6 =	vld [tilespmem:s19+$0xFFFFFFD0];
	p0 =	slt.u32 s18, $0x1F80  }
0x93: {  	v9 =	vmin.u32 v9, $0xFFF;
	v8 =	vmin.u32 v8, $0xFFF;
	v7 =	vmin.u32 v7, $0xFFF;
	v15 =	vld [tilespmem:s19+$0xFFFFFFE0]  }
0x94: {  	vm0 =	vmand vm4, vm6;
	vm13 =	vmand vm12, vm1;
	vm12 =	vmand vm2, vm3;
	v16 =	vld [tilespmem:s19+$0xFFFFFFF0]  }
0x95: {  	vm7 =	vmand vm5, vm7;
	vm6 =	vmand vm8, vm10;
	vm4 =	vmand vm9, vm11;
	v17 =	vld [tilespmem:s19+$0x0]  }
0x96: {  	vm5 =	vmand vm14, vm15;
	v18 =	vld [tilespmem:s19+$0x10];
	v19 =	vsub.f32 v14, v2  }
0x97: {  	v20 =	vsub.f32 v6, v2;
	vm14 =	vge.f32 v6, v4;
	vm1 =	vlt.f32 v6, v5;
	v6 =	vld [tilespmem:s19+$0x20]  }
0x98: {  	v21 =	vld [tilespmem:s19+$0xFFFFFFC0];
	v22 =	vsub.f32 v15, v2;
	vm2 =	vge.f32 v15, v4;
	v19 =	vmul.f32 v19, v3  }
0x99: {  	vm3 =	vlt.f32 v15, v5;
	v20 =	vmul.f32 v20, v3;
	v15 =	vsub.f32 v16, v2  }
0x9a: {  	v22 =	vmul.f32 v22, v3;
	v23 =	vsub.f32 v17, v2;
	v19 =	vtrunc.f32 v19;
	[tilespmem:v13+s14+$0x0] =	vst.idx.add.f32.msk vm0, v1  }
0x9b: {  	v13 =	vmul.f32 v15, v3;
	v15 =	vsub.f32 v18, v2;
	v19 =	vcvt.f32.s32 v19;
	[tilespmem:v11+s14+$0x0] =	vst.idx.add.f32.msk vm13, v1  }
0x9c: {  	v11 =	vtrunc.f32 v20;
	v20 =	vmul.f32 v23, v3;
	v23 =	vsub.f32 v6, v2;
	[tilespmem:v12+s14+$0x0] =	vst.idx.add.f32.msk vm12, v1  }
0x9d: {  	vm8 =	vge.f32 v14, v4;
	vm9 =	vlt.f32 v14, v5;
	vm0 =	vgt.s32 v19, $0x0;
	[tilespmem:v10+s14+$0x0] =	vst.idx.add.f32.msk vm7, v1  }
0x9e: {  	v10 =	vsub.f32 v21, v2;
	v12 =	vnsel vm0, $0x0, v19;
	vm0 =	vmand vm8, vm9;
	[tilespmem:v9+s14+$0x0] =	vst.idx.add.f32.msk vm6, v1  }
0x9f: {  	v9 =	vmul.f32 v15, v3;
	v14 =	vmul.f32 v23, v3;
	v12 =	vmin.u32 v12, $0xFFF;
	[tilespmem:v8+s14+$0x0] =	vst.idx.add.f32.msk vm4, v1  }
0xa0: {  	v8 =	vmul.f32 v10, v3;
	vm4 =	vge.f32 v21, v4;
	v10 =	vtrunc.f32 v22;
	[tilespmem:v7+s14+$0x0] =	vst.idx.add.f32.msk vm5, v1  }
0xa1: {  	vm6 =	vlt.f32 v21, v5;
	v7 =	vtrunc.f32 v13;
	v13 =	vtrunc.f32 v20  }
0xa2: {  	vm5 =	vge.f32 v16, v4;
	v9 =	vtrunc.f32 v9;
	v8 =	vtrunc.f32 v8  }
0xa3: {  	vm7 =	vlt.f32 v16, v5;
	v14 =	vtrunc.f32 v14;
	v8 =	vcvt.f32.s32 v8  }
0xa4: {  	v11 =	vcvt.f32.s32 v11;
	vm8 =	vge.f32 v17, v4;
	v10 =	vcvt.f32.s32 v10;
	[tilespmem:v12+s14+$0x0] =	vst.idx.add.f32.msk vm0, v1  }
0xa5: {  	v7 =	vcvt.f32.s32 v7;
	v15 =	vcvt.f32.s32 v13;
	vm0 =	vgt.s32 v8, $0x0  }
0xa6: {  	vm9 =	vgt.s32 v11, $0x0;
	v16 =	vcvt.f32.s32 v9;
	v14 =	vcvt.f32.s32 v14  }
.Ltmp2:
0xa7: {  	vm10 =	vgt.s32 v10, $0x0;
	vm11 =	vgt.s32 v7, $0x0;
	vm12 =	vgt.s32 v15, $0x0;
	(pc) =	sbr.rel @p0 .LBB2_8-.Ltmp2, $4  }
0xa8: {  	vm13 =	vgt.s32 v14, $0x0;
	v13 =	vnsel vm0, $0x0, v8;
	vm0 =	vgt.s32 v16, $0x0  }
0xa9: {  	v11 =	vnsel vm9, $0x0, v11;
	v12 =	vnsel vm10, $0x0, v10;
	v10 =	vnsel vm11, $0x0, v7  }
0xaa: {  	v9 =	vnsel vm12, $0x0, v15;
	v7 =	vnsel vm13, $0x0, v14;
	v8 =	vnsel vm0, $0x0, v16  }
0xab: {  	s19 =	sadd.s32 $0x80, s19;
	vm9 =	vge.f32 v18, v4;
	vm10 =	vlt.f32 v17, v5;
	vm11 =	vlt.f32 v18, v5  }
0xac: {  	vm0 =	vmand vm4, vm6  }
0xad: {  	v13 =	vmin.u32 v13, $0xFFF;
	vm1 =	vmand vm14, vm1  }
0xae: {  	v11 =	vmin.u32 v11, $0xFFF;
	vm2 =	vmand vm2, vm3  }
0xaf: {  	v12 =	vmin.u32 v12, $0xFFF;
	vm3 =	vmand vm5, vm7  }
0xb0: {  	vm12 =	vge.f32 v6, v4;
	v10 =	vmin.u32 v10, $0xFFF;
	vm13 =	vmand vm8, vm10  }
0xb1: {  	vm14 =	vlt.f32 v6, v5;
	v6 =	vmin.u32 v9, $0xFFF;
	vm15 =	vmand vm9, vm11  }
0xb2: {  	v8 =	vmin.u32 v8, $0xFFF;
	vm4 =	vmand vm12, vm14;
	[tilespmem:v13+s14+$0x0] =	vst.idx.add.f32.msk vm0, v1  }
0xb3: {  	v7 =	vmin.u32 v7, $0xFFF;
	[tilespmem:v11+s14+$0x0] =	vst.idx.add.f32.msk vm1, v1  }
0xb4: {  	[tilespmem:v12+s14+$0x0] =	vst.idx.add.f32.msk vm2, v1  }
0xb5: {  	[tilespmem:v10+s14+$0x0] =	vst.idx.add.f32.msk vm3, v1  }
0xb6: {  	[tilespmem:v6+s14+$0x0] =	vst.idx.add.f32.msk vm13, v1  }
0xb7: {  	[tilespmem:v8+s14+$0x0] =	vst.idx.add.f32.msk vm15, v1  }
0xb8: {  	[tilespmem:v7+s14+$0x0] =	vst.idx.add.f32.msk vm4, v1  }
0xb9: {  	p0 =	seq.s32 s17, $0x20  }
.Ltmp3:
0xba: {  	_ = 	snop;
	(pc) =	sbr.rel @!p0 .LBB2_5-.Ltmp3, $1  }
0xbb: {  	_ =	sdelay $0x3  }
0xbc: {  	s16 =	sadd.s32 $0x1, s16  }
0xbd: {  	p0 =	sne.s32 s16, s9  }
.Ltmp4:
0xbe: {  	_ = 	snop;
	(pc) =	sbr.rel @p0 .LBB2_1-.Ltmp4, $4  }
0xbf: {  	[hbm4b:s8+s3] =	stream.linear.scatter [tilespmem:s14], [sflag:$0x3], $0x1000, $0x38;
	[tilespmem:$0x5080] =	vst v63  }
0xc0: {  	_ =	swait.ge [sflag:s10], $0x1000  }
0xc1: {  	[sflag:s10] =	ssyncset.done $0x0  }
0xc2: {  	[sflag:s10] =	ssyncadd.s32 $0xFFFFF000  }
0xc3: {  	_ =	sfence.sel $0x180000  }
0xc4: {  	[bflag:$0x0] =	sbarrier.arrive $0xFFFF  }
0xc5: {  	p0 =	sne.s32 s1, $0x0;
	_ =	strace $0x9000004A  }
0xc6: {  	s0 =	sadd.s32 @!p0 $0x100000, s0;
	[bflag:$0x2] =	sbarrier.arrive $0xFFFF  }
0xc7: {  	[sflag:s0] =	ssyncadd.tile.s32 @!p0 $0x1;
	_ =	shalt  }
.Lfunc_end2:
_tile_overlayer_lowered:
.L_overlay_start_2:
0xc8: {  	(tag) =	ssettag $0x2  }
0xc9: {  	s0 =	rddreg [dreg:$0x0];
	s2 =	stileid.u32  }
0xca: {  	s1 =	rddreg [dreg:$0x1];
	p0 =	sne.s32 s2, $0x0  }
0xcb: {  	s3 =	rddreg [dreg:$0x2];
	[bflag:$0x3] =	sbarrier.arrive $0xFFFF;
	s2 =	simm.s32 @!p0 $0x1C03  }
0xcc: {  	[timem:s3], [sflag:s2] =	dma.local @!p0 [hbm:s0], s1  }
0xcd: {  	s0 =	simm.s32 @!p0 $0x3  }
0xce: {  	_ =	swait.ge @!p0 [sflag:s0], s1  }
0xcf: {  	s1 =	ssub.s32 @!p0 $0x0, s1;
	[sflag:s0] =	ssyncset.done @!p0 $0x0  }
0xd0: {  	[sflag:s0] =	ssyncadd.s32 @!p0 s1  }
0xd1: {  	[bflag:$0x3] =	sbarrier.arrive $0xFFFF  }
0xd2: {  	_ =	shalt  }

// kernel: kernel.7.cloned.1.call-start
scs
__scs_entry_jumppad:
0x0: {  	(pc) =	sbr.rel $0x88, $3  }
0x1: {  	(tag) =	ssettag $0x0;
	lr =	simm.s32 $0x1  }
0x2: {  	[smem:$0x3F9C] =	sst lr;
	_ =	strace $0xD0000000  }
0x3: {  	_ = 	snop  }
0x4: {  	_ = 	snop  }
0x5: {  	_ = 	snop  }
0x6: {  	_ = 	snop  }
0x7: {  	_ = 	snop  }
__scs_overlays_trampoline_lowered:
0x8: {  	[smem:$0x3FAB] =	sst s0  }
0x9: {  	[smem:$0x3FAC] =	sst s1  }
0xa: {  	[smem:$0x3FAD] =	sst s2  }
0xb: {  	[smem:$0x3FAE] =	sst s3  }
0xc: {  	[smem:$0x3FAF] =	sst s4  }
0xd: {  	[smem:$0x3FB0] =	sst s5  }
0xe: {  	[smem:$0x3FB1] =	sst s6  }
0xf: {  	[smem:$0x3FB2] =	sst s7  }
0x10: {  	[smem:$0x3FB3] =	sst s8  }
0x11: {  	[smem:$0x3FB4] =	sst s9;
	s0 =	simm.s32 @!p0 $0x0  }
0x12: {  	s1 =	sld [smem:$0x3F9A];
	s0 =	simm.s32 @p0 $0x1  }
0x13: {  	[smem:$0x3FB5] =	sst s0;
	s0 =	simm.s32 @!p1 $0x0  }
0x14: {  	s2 =	sld [smem:$0x3F99];
	s0 =	simm.s32 @p1 $0x1  }
0x15: {  	[smem:$0x3FB6] =	sst s0;
	s0 =	simm.s32 @!p2 $0x0  }
0x16: {  	s3 =	sld [smem:$0x3FDB];
	s0 =	simm.s32 @p2 $0x1  }
0x17: {  	s4 =	simm.s32 $0x1BF5;
	[smem:$0x3FB8] =	sst s0  }
0x18: {  	s0 =	sld [smem:$0x3F9B];
	_ =	swait.ge [sflag:s4], $0x0  }
0x19: {  	s7 =	sld [smem:$0x3F9C]  }
0x1a: {  	s8 =	sadd.s32 $0xFFFFE003, lr  }
0x1b: {  	s9 =	sadd.s32 $0xFFFFFEF7, lr;
	s5 =	simm.s32 $0xFFFFFFFF;
	p2 =	slt.u32 s8, $0xFFFFF086  }
0x1c: {  	p1 =	slt.u32 s9, $0xF7A;
	s5 =	simm.s32 @!p2 $0x0  }
0x1d: {  	s5 =	simm.s32 @p1 $0x1;
	p0 =	seq.s32 s7, s2  }
0x1e: {  	s7 =	smul.u32 @!p0 $0xF7A, s2;
	p2 =	seq.s32 @!p0 s5, $0x0  }
0x1f: {  	s9 =	smul.u32 $0xF7A, s1;
	s8 =	simm.s32 @!p0 $0x1BF5;
	p2 =	por !p2, p0  }
0x20: {  	[sflag:s8] =	ssyncset.s32 @!p0 $0xFFFFF086;
	s6 =	sadd.s32 @!p0 s3, s7;
	s7 =	simm.s32 @!p0 $0x108  }
0x21: {  	s3 =	sadd.s32 s3, s9;
	s6 =	sadd.s32 @!p0 $0x88, s6;
	s7 =	simm.s32 @p2 $0x1082  }
0x22: {  	[simem:s7], [sflag:s8] =	dma.local @!p0 [hbm:s6], $0xF7A  }
0x23: {  	s9 =	sor.u32 $0xD0000000, s2;
	s6 =	simm.s32 $0x108;
	_ =	swait.ge @!p0 [sflag:s8], $0x0  }
0x24: {  	s3 =	sadd.s32 $0x88, s3;
	s6 =	simm.s32 @!p1 $0x1082;
	[sflag:s4] =	ssyncset.s32 $0xFFFFF086  }
0x25: {  	[simem:s6], [sflag:s4] =	dma.local [hbm:s3], $0xF7A  }
0x26: {  	[smem:$0x3F9C] =	sst s1;
	(tag) =	ssettag s2;
	_ =	strace s9  }
0x27: {  	s1 =	sld [smem:$0x3FAC]  }
0x28: {  	s2 =	sld [smem:$0x3FAD]  }
0x29: {  	s4 =	sld [smem:$0x3FAF]  }
0x2a: {  	p0 =	seq.s32 s5, $0x0;
	s5 =	sld [smem:$0x3FB0]  }
0x2b: {  	s6 =	sld [smem:$0x3FB1]  }
0x2c: {  	s7 =	sld [smem:$0x3FB2]  }
0x2d: {  	s3 =	simm.s32 $0x108;
	s8 =	sld [smem:$0x3FB3]  }
0x2e: {  	s3 =	simm.s32 @!p0 $0x1082;
	s9 =	sld [smem:$0x3FB4]  }
0x2f: {  	lr =	sadd.s32 s0, s3;
	s0 =	sld [smem:$0x3FAB]  }
0x30: {  	s3 =	sld [smem:$0x3FAE]  }
0x31: {  	[smem:$0x3FB7] =	sst s10  }
0x32: {  	s10 =	sld [smem:$0x3FB5];
	_ =	sdelay $0x3  }
0x33: {  	p0 =	seq.s32 s10, $0x1;
	s10 =	sld [smem:$0x3FB7];
	_ =	sdelay $0x3  }
0x34: {  	[smem:$0x3FB7] =	sst s10  }
0x35: {  	s10 =	sld [smem:$0x3FB6];
	_ =	sdelay $0x3  }
0x36: {  	p1 =	seq.s32 s10, $0x1;
	s10 =	sld [smem:$0x3FB7];
	_ =	sdelay $0x3  }
0x37: {  	[smem:$0x3FB7] =	sst s10  }
0x38: {  	s10 =	sld [smem:$0x3FB8]  }
0x39: {  	_ = 	snop;
	(pc) =	sbr.ind lr, $3  }
0x3a: {  	_ = 	snop  }
0x3b: {  	_ = 	snop  }
0x3c: {  	p2 =	seq.s32 s10, $0x1;
	s10 =	sld [smem:$0x3FB7]  }
0x3d: {  	_ =	shalt  }
0x3e: {  	_ =	shalt  }
0x3f: {  	_ =	shalt  }
0x40: {  	_ =	shalt  }
0x41: {  	_ =	shalt  }
0x42: {  	_ =	shalt  }
0x43: {  	_ =	shalt  }
0x44: {  	_ =	shalt  }
0x45: {  	_ =	shalt  }
0x46: {  	_ =	shalt  }
0x47: {  	_ =	shalt  }
0x48: {  	_ =	shalt  }
0x49: {  	_ =	shalt  }
0x4a: {  	_ =	shalt  }
0x4b: {  	_ =	shalt  }
0x4c: {  	_ =	shalt  }
0x4d: {  	_ =	shalt  }
0x4e: {  	_ =	shalt  }
0x4f: {  	_ =	shalt  }
0x50: {  	_ =	shalt  }
0x51: {  	_ =	shalt  }
0x52: {  	_ =	shalt  }
0x53: {  	_ =	shalt  }
0x54: {  	_ =	shalt  }
0x55: {  	_ =	shalt  }
0x56: {  	_ =	shalt  }
0x57: {  	_ =	shalt  }
0x58: {  	_ =	shalt  }
0x59: {  	_ =	shalt  }
0x5a: {  	_ =	shalt  }
0x5b: {  	_ =	shalt  }
0x5c: {  	_ =	shalt  }
0x5d: {  	_ =	shalt  }
0x5e: {  	_ =	shalt  }
0x5f: {  	_ =	shalt  }
0x60: {  	_ =	shalt  }
0x61: {  	_ =	shalt  }
0x62: {  	_ =	shalt  }
0x63: {  	_ =	shalt  }
0x64: {  	_ =	shalt  }
0x65: {  	_ =	shalt  }
0x66: {  	_ =	shalt  }
0x67: {  	_ =	shalt  }
0x68: {  	_ =	shalt  }
0x69: {  	_ =	shalt  }
0x6a: {  	_ =	shalt  }
0x6b: {  	_ =	shalt  }
0x6c: {  	_ =	shalt  }
0x6d: {  	_ =	shalt  }
0x6e: {  	_ =	shalt  }
0x6f: {  	_ =	shalt  }
0x70: {  	_ =	shalt  }
0x71: {  	_ =	shalt  }
0x72: {  	_ =	shalt  }
0x73: {  	_ =	shalt  }
0x74: {  	_ =	shalt  }
0x75: {  	_ =	shalt  }
0x76: {  	_ =	shalt  }
0x77: {  	_ =	shalt  }
0x78: {  	_ =	shalt  }
0x79: {  	_ =	shalt  }
0x7a: {  	_ =	shalt  }
0x7b: {  	_ =	shalt  }
0x7c: {  	_ =	shalt  }
0x7d: {  	_ =	shalt  }
0x7e: {  	_ =	shalt  }
0x7f: {  	_ =	shalt  }
0x80: {  	_ =	shalt  }
0x81: {  	_ =	shalt  }
0x82: {  	_ =	shalt  }
0x83: {  	_ =	shalt  }
0x84: {  	_ =	shalt  }
0x85: {  	_ =	shalt  }
0x86: {  	_ =	shalt  }
0x87: {  	_ =	shalt  }
.Lfunc_end0:
.L_simem_size_0:
called_computation_lowered:
.L_overlay_start_0:
0x88: {  	s2 =	sld [smem:$0x3FD9]  }
0x89: {  	s3 =	sld [smem:$0x3FFE];
	_ =	sdelay $0x1  }
0x8a: {  	s1 =	srdreg.scid  }
0x8b: {  	s0 =	sand.u32 $0x1, s1  }
0x8c: {  	s17 =	sshll.u32 s0, $0xA;
	s2 =	sadd.s32 s3, s2  }
0x8d: {  	s2 =	sadd.s32 s2, s17  }
0x8e: {  	[smem:$0x3FC3] =	sst s2  }
0x8f: {  	_ = 	snop  }
0x90: {  	s2 =	sld [smem:$0x3FD0];
	(tm) =	ssettm $0x1  }
0x91: {  	s18 =	sld [smem:$0x3FFB];
	_ =	sdelay $0x3  }
0x92: {  	_ =	strace s18  }
0x93: {  	s3 =	sld [smem:$0x3FFC];
	_ =	sdelay $0x3  }
0x94: {  	_ =	strace s3  }
0x95: {  	s3 =	sld [smem:$0x3FFD];
	_ =	sdelay $0x3  }
0x96: {  	_ =	strace s3  }
0x97: {  	_ =	strace $0x8FFFFFFF  }
0x98: {  	s19 =	sld [smem:$0x3FDB];
	_ =	sdelay $0x1  }
0x99: {  	s4 =	simm.s32 $_scs_section_size  }
0x9a: {  	s5 =	simm.s32 $_size__tile_overlayer_lowered;
	s6 =	simm.s32 $_tile_overlayer_lowered  }
0x9b: {  	s22 =	simm.s32 $0x1BFF;
	s21 =	sshll.u32 s6, $0x1;
	s3 =	sadd.s32 s4, s19  }
0x9c: {  	s7 =	simm.s32 $0x0;
	s20 =	sshll.u32 s5, $0x1;
	s5 =	sadd.s32 s21, s3  }
0x9d: {  	[timem:s7], [sflag:s22] =	dma.local [hbm:s5], s20  }
0x9e: {  	_ =	swait.ge [sflag:s22], s20  }
0x9f: {  	s4 =	ssub.s32 $0x0, s20;
	[sflag:s22] =	ssyncset.done $0x0  }
0xa0: {  	[sflag:s22] =	ssyncadd.s32 s4;
	_ =	sdelay $0x1  }
0xa1: {  	s23 =	simm.s32 $0x1B8B  }
0xa2: {  	_ =	swait.ge [sflag:s23], $0x1  }
0xa3: {  	[sflag:s23] =	ssyncset.done $0x0  }
0xa4: {  	s25 =	simm.s32 $0x1B8E;
	s24 =	sld [smem:$0x3FFE];
	[sflag:s23] =	ssyncadd.s32 $0xFFFFFFFF  }
0xa5: {  	s26 =	simm.s32 $execute0_lowered;
	[smem:$0x3FD2] =	sst s25  }
0xa6: {  	s5 =	sshll.u32 s26, $0x1;
	_ =	strace $0x80000046;
	[dreg:$0x1] =	wrdreg $0xFFFFFFFF  }
0xa7: {  	s28 =	simm.s32 $_size_execute0_lowered;
	s3 =	sadd.s32 s3, s5;
	[dreg:$0x0] =	wrdreg $0x0  }
0xa8: {  	s5 =	sshll.u32 s28, $0x1;
	[dreg:$0x2] =	wrdreg s3  }
0xa9: {  	[dreg:$0x3] =	wrdreg s5  }
0xaa: {  	[dreg:$0x4] =	wrdreg $0xC0  }
0xab: {  	_ =	task [dreg:s7], $0x5FFFF  }
0xac: {  	[dreg:$0x1] =	wrdreg $0xFFFFFFFF  }
0xad: {  	[dreg:$0x0] =	wrdreg $0x60  }
0xae: {  	[dreg:$0x2] =	wrdreg s2  }
0xaf: {  	[dreg:$0x3] =	wrdreg s24  }
0xb0: {  	[dreg:$0x4] =	wrdreg $0x9  }
0xb1: {  	_ =	task.clear_ibuf [dreg:s7], $0x5FFFF;
	_ =	strace $0x90000046  }
0xb2: {  	s29 =	simm.s32 $0x9;
	_ =	strace $0x80000048  }
0xb3: {  	_ =	swait.ge [sflag:s29], $0x1  }
0xb4: {  	[sflag:s29] =	ssyncadd.s32 $0xFFFFFFFF  }
0xb5: {  	_ =	strace $0x90000048  }
0xb6: {  	_ =	sfence  }
0xb7: {  	s30 =	sld [smem:$0x0];
	_ =	sdelay $0x2  }
0xb8: {  	s31 =	sshll.u32 s1, $0xD;
	s1 =	sshrl.u32 s1, $0x2  }
0xb9: {  	s3 =	sand.u32 $0x4000, s31;
	s1 =	sadd.s32 s1, s30  }
0xba: {  	s0 =	sor.u32 s3, s0;
	s1 =	sshll.u32 s1, $0x11  }
0xbb: {  	s0 =	sor.u32 s1, s0  }
0xbc: {  	s0 =	sadd.s32 $0x8F2B, s0  }
0xbd: {  	[sflag:s0] =	ssyncadd.remote.s32 $0x1  }
0xbe: {  	_ =	sfence.sel $0xFFFF  }
0xbf: {  	[dreg:$0x0] =	wrdreg $0xFFFFFFFF;
	(pc) =	sbr.abs _section_cstart, $3  }
0xc0: {  	[dreg:$0x1] =	wrdreg $0xFFFFFFFF  }
0xc1: {  	_ =	task.clear_ibuf [dreg:s7], $0x2FFFF;
	_ =	strace $0x9FFFFFFF  }
0xc2: {  	(tm) =	ssettm $0x7FFFFFFF  }
0xc3: {  	_ =	shalt  }
tec
execute0_lowered:
.L_overlay_start_1:
0x0: {  	(tag) =	ssettag $0x1  }
0x1: {  	s2 =	rddreg [dreg:$0x0];
	s1 =	srdreg.scid  }
0x2: {  	s0 =	stileid.u32;
	s3 =	rddreg [dreg:$0x1];
	s4 =	simm.s32 $0x0  }
0x3: {  	s10 =	simm.s32 $0x3;
	s11 =	simm.s32 $0x80;
	s12 =	simm.s32 $0x1  }
0x4: {  	s13 =	simm.s32 $0x2080;
	s14 =	simm.s32 $0x4080;
	s15 =	simm.s32 $0x2  }
0x5: {  	s5 =	sand.u32 $0x1, s1;
	s6 =	sshll.u32 s0, $0x1;
	s1 =	rddreg [dreg:$0x2]  }
0x6: {  	s16 =	simm.s32 $0x0;
	[smem:$0x7FF] =	sst s4;
	s6 =	sor.u32 s5, s6  }
0x7: {  	_ =	strace $0x80000047;
	s31 =	ssub.s32 $0x2, s5;
	s7 =	sshll.u32 s6, $0x9  }
0x8: {  	s9 =	sshrl.u32 s31, $0x1;
	s5 =	sshll.u32 s6, $0x13;
	s6 =	sshll.u32 s6, $0x10  }
0x9: {  	s8 =	sadd.s32 s7, s3;
	s9 =	ssub.s32 s31, s9;
	s6 =	sadd.s32 s2, s6  }
0xa: {  	v0 =	vimm.f32 $0.0e+00;
	v1 =	vimm.f32 $1.000000000e+00;
	s7 =	sor.u32 $0x4000, s5;
	s8 =	sadd.s32 $0x200, s8;
	s9 =	smax.u32 s9, $0x1  }
.LBB2_1:
0xb: {  	[tilespmem:s4], [sflag:$0x3] =	stream.linear.gather [hbm4b:s3+s4], $0x80, $0x38;
	[tilespmem:$0x5080] =	vst v63  }
0xc: {  	_ =	swait.ge [sflag:s10], $0x80  }
0xd: {  	[sflag:s10] =	ssyncset.done $0x0  }
0xe: {  	[sflag:s10] =	ssyncadd.s32 $0xFFFFFF80  }
0xf: {  	v2 =	vld [tilespmem:$0x0]  }
0x10: {  	v3 =	vld [tilespmem:$0x10]  }
0x11: {  	s17 =	simm.s32 $0x40C0;
	v4 =	vld [tilespmem:$0x20]  }
0x12: {  	v5 =	vld [tilespmem:$0x30];
	[tilespmem:s17+$0xFFFFFFC0] =	vst v0  }
0x13: {  	[tilespmem:s17+$0x30] =	vst v0  }
0x14: {  	[tilespmem:s17+$0x20] =	vst v0  }
0x15: {  	[tilespmem:s17+$0x10] =	vst v0  }
0x16: {  	[tilespmem:s17+$0x0] =	vst v0  }
0x17: {  	[tilespmem:s17+$0xFFFFFFF0] =	vst v0  }
0x18: {  	s18 =	simm.s32 $0x0;
	[tilespmem:s17+$0xFFFFFFE0] =	vst v0  }
.LBB2_2:
0x19: {  	s18 =	sadd.s32 $0x80, s18;
	[tilespmem:s17+$0xFFFFFFD0] =	vst v0;
	s17 =	sadd.s32 $0x80, s17  }
0x1a: {  	[tilespmem:s17+$0xFFFFFFC0] =	vst v0;
	p0 =	slt.u32 s18, $0xF80  }
0x1b: {  	[tilespmem:s17+$0x30] =	vst v0  }
.Ltmp0:
0x1c: {  	[tilespmem:s17+$0x20] =	vst v0;
	(pc) =	sbr.rel @p0 .LBB2_2-.Ltmp0, $4  }
0x1d: {  	[tilespmem:s17+$0x10] =	vst v0  }
0x1e: {  	[tilespmem:s17+$0x0] =	vst v0  }
0x1f: {  	[tilespmem:s17+$0xFFFFFFF0] =	vst v0  }
0x20: {  	[tilespmem:s17+$0xFFFFFFE0] =	vst v0  }
0x21: {  	[tilespmem:s17+$0xFFFFFFD0] =	vst v0;
	s17 =	simm.s32 $0x0  }
0x22: {  	[tilespmem:s11], [sflag:$0x1] =	stream.linear.gather [hbm4b:s6+s17], $0x2000, $0x38;
	[tilespmem:$0x5080] =	vst v63  }
.LBB2_5:
0x23: {  	s18 =	sshll.u32 s17, $0xE  }
0x24: {  	s19 =	sor.u32 s18, s5  }
0x25: {  	_ =	swait.ge [sflag:s12], $0x2000;
	s19 =	sshrl.u32 s19, $0x3  }
0x26: {  	[sflag:s12] =	ssyncset.done $0x0;
	s19 =	sadd.s32 s19, s2  }
0x27: {  	s31 =	simm.s32 $0xC0;
	[sflag:s12] =	ssyncadd.s32 $0xFFFFE000;
	s19 =	sadd.s32 $0x400, s19  }
0x28: {  	[tilespmem:s13], [sflag:$0x2] =	stream.linear.gather [hbm4b:s19+s4], $0x2000, $0x38;
	[tilespmem:$0x5080] =	vst v63  }
0x29: {  	v7 =	vld [tilespmem:s31+$0x30]  }
0x2a: {  	v6 =	vld [tilespmem:s31+$0xFFFFFFD0]  }
0x2b: {  	v8 =	vld [tilespmem:s31+$0xFFFFFFE0]  }
0x2c: {  	v9 =	vld [tilespmem:s31+$0xFFFFFFF0]  }
0x2d: {  	v14 =	vld [tilespmem:s31+$0x0]  }
0x2e: {  	v15 =	vld [tilespmem:s31+$0x10];
	_ =	sdelay $0x1  }
0x2f: {  	v13 =	vld [tilespmem:s31+$0xFFFFFFC0];
	v10 =	vsub.f32 v7, v2  }
0x30: {  	v11 =	vsub.f32 v6, v2;
	vm14 =	vge.f32 v6, v4;
	v12 =	vsub.f32 v8, v2  }
0x31: {  	vm2 =	vge.f32 v8, v4;
	vm3 =	vlt.f32 v8, v5;
	v8 =	vsub.f32 v9, v2  }
0x32: {  	vm1 =	vlt.f32 v6, v5;
	v16 =	vsub.f32 v14, v2;
	v17 =	vsub.f32 v15, v2  }
0x33: {  	vm5 =	vge.f32 v7, v4;
	vm6 =	vlt.f32 v7, v5;
	v10 =	vmul.f32 v10, v3  }
0x34: {  	v6 =	vld [tilespmem:s31+$0x20];
	v7 =	vsub.f32 v13, v2;
	v11 =	vmul.f32 v11, v3;
	v12 =	vmul.f32 v12, v3  }
0x35: {  	vm7 =	vlt.f32 v9, v5;
	v8 =	vmul.f32 v8, v3;
	v16 =	vmul.f32 v16, v3  }
0x36: {  	vm8 =	vge.f32 v14, v4;
	v17 =	vmul.f32 v17, v3;
	v7 =	vmul.f32 v7, v3  }
0x37: {  	vm9 =	vmand vm5, vm6;
	v10 =	vtrunc.f32 v10;
	v11 =	vtrunc.f32 v11  }
0x38: {  	vm6 =	vlt.f32 v13, v5;
	v8 =	vtrunc.f32 v8;
	v7 =	vtrunc.f32 v7  }
0x39: {  	v10 =	vcvt.f32.s32 v10;
	v18 =	vsub.f32 v6, v2;
	v7 =	vcvt.f32.s32 v7  }
0x3a: {  	vm5 =	vge.f32 v9, v4;
	v11 =	vcvt.f32.s32 v11;
	v8 =	vcvt.f32.s32 v8  }
0x3b: {  	vm4 =	vgt.s32 v10, $0x0;
	v18 =	vmul.f32 v18, v3;
	vm10 =	vgt.s32 v7, $0x0  }
0x3c: {  	v10 =	vnsel vm4, $0x0, v10;
	vm4 =	vge.f32 v13, v4;
	v13 =	vtrunc.f32 v17  }
0x3d: {  	v19 =	vmin.u32 v10, $0xFFF;
	v10 =	vtrunc.f32 v12;
	v12 =	vtrunc.f32 v16  }
0x3e: {  	vm11 =	vgt.s32 v11, $0x0;
	v9 =	vtrunc.f32 v18;
	v17 =	vcvt.f32.s32 v13  }
0x3f: {  	vm13 =	vgt.s32 v8, $0x0;
	v10 =	vcvt.f32.s32 v10;
	v16 =	vcvt.f32.s32 v12  }
0x40: {  	v11 =	vnsel vm11, $0x0, v11;
	v13 =	vnsel vm10, $0x0, v7;
	v18 =	vcvt.f32.s32 v9  }
0x41: {  	vm11 =	vgt.s32 v17, $0x0;
	vm12 =	vgt.s32 v10, $0x0;
	vm10 =	vgt.s32 v16, $0x0  }
0x42: {  	v12 =	vnsel vm12, $0x0, v10;
	vm12 =	vgt.s32 v18, $0x0;
	v10 =	vnsel vm13, $0x0, v8  }
0x43: {  	v9 =	vnsel vm10, $0x0, v16;
	v8 =	vnsel vm11, $0x0, v17;
	vm10 =	vlt.f32 v14, v5  }
0x44: {  	s20 =	simm.s32 $0x140;
	s19 =	simm.s32 $0x0;
	vm11 =	vlt.f32 v15, v5;
	[tilespmem:v19+s14+$0x0] =	vst.idx.add.f32.msk vm9, v1;
	v7 =	vnsel vm12, $0x0, v18;
	vm9 =	vge.f32 v15, v4  }
.LBB2_6:
0x45: {  	v13 =	vmin.u32 v13, $0xFFF  }
0x46: {  	v14 =	vld [tilespmem:s20+$0x30];
	s19 =	sadd.s32 $0x80, s19;
	vm12 =	vmmov vm14;
	vm14 =	vge.f32 v6, v4;
	vm15 =	vlt.f32 v6, v5  }
0x47: {  	v11 =	vmin.u32 v11, $0xFFF;
	v12 =	vmin.u32 v12, $0xFFF;
	v10 =	vmin.u32 v10, $0xFFF;
	v6 =	vld [tilespmem:s20+$0xFFFFFFD0];
	p0 =	slt.u32 s19, $0x1F80  }
0x48: {  	v9 =	vmin.u32 v9, $0xFFF;
	v8 =	vmin.u32 v8, $0xFFF;
	v7 =	vmin.u32 v7, $0xFFF;
	v15 =	vld [tilespmem:s20+$0xFFFFFFE0]  }
0x49: {  	vm0 =	vmand vm4, vm6;
	vm13 =	vmand vm12, vm1;
	vm12 =	vmand vm2, vm3;
	v16 =	vld [tilespmem:s20+$0xFFFFFFF0]  }
0x4a: {  	vm7 =	vmand vm5, vm7;
	vm6 =	vmand vm8, vm10;
	vm4 =	vmand vm9, vm11;
	v17 =	vld [tilespmem:s20+$0x0]  }
0x4b: {  	vm5 =	vmand vm14, vm15;
	v18 =	vld [tilespmem:s20+$0x10];
	v19 =	vsub.f32 v14, v2  }
0x4c: {  	v20 =	vsub.f32 v6, v2;
	vm14 =	vge.f32 v6, v4;
	vm1 =	vlt.f32 v6, v5;
	v6 =	vld [tilespmem:s20+$0x20]  }
0x4d: {  	v21 =	vld [tilespmem:s20+$0xFFFFFFC0];
	v22 =	vsub.f32 v15, v2;
	vm2 =	vge.f32 v15, v4;
	v19 =	vmul.f32 v19, v3  }
0x4e: {  	vm3 =	vlt.f32 v15, v5;
	v20 =	vmul.f32 v20, v3;
	v15 =	vsub.f32 v16, v2  }
0x4f: {  	v22 =	vmul.f32 v22, v3;
	v23 =	vsub.f32 v17, v2;
	v19 =	vtrunc.f32 v19;
	[tilespmem:v13+s14+$0x0] =	vst.idx.add.f32.msk vm0, v1  }
0x50: {  	v13 =	vmul.f32 v15, v3;
	v15 =	vsub.f32 v18, v2;
	v19 =	vcvt.f32.s32 v19;
	[tilespmem:v11+s14+$0x0] =	vst.idx.add.f32.msk vm13, v1  }
0x51: {  	v11 =	vtrunc.f32 v20;
	v20 =	vmul.f32 v23, v3;
	v23 =	vsub.f32 v6, v2;
	[tilespmem:v12+s14+$0x0] =	vst.idx.add.f32.msk vm12, v1  }
0x52: {  	vm8 =	vge.f32 v14, v4;
	vm9 =	vlt.f32 v14, v5;
	vm0 =	vgt.s32 v19, $0x0;
	[tilespmem:v10+s14+$0x0] =	vst.idx.add.f32.msk vm7, v1  }
0x53: {  	v10 =	vsub.f32 v21, v2;
	v12 =	vnsel vm0, $0x0, v19;
	vm0 =	vmand vm8, vm9;
	[tilespmem:v9+s14+$0x0] =	vst.idx.add.f32.msk vm6, v1  }
0x54: {  	v9 =	vmul.f32 v15, v3;
	v14 =	vmul.f32 v23, v3;
	v12 =	vmin.u32 v12, $0xFFF;
	[tilespmem:v8+s14+$0x0] =	vst.idx.add.f32.msk vm4, v1  }
0x55: {  	v8 =	vmul.f32 v10, v3;
	vm4 =	vge.f32 v21, v4;
	v10 =	vtrunc.f32 v22;
	[tilespmem:v7+s14+$0x0] =	vst.idx.add.f32.msk vm5, v1  }
0x56: {  	vm6 =	vlt.f32 v21, v5;
	v7 =	vtrunc.f32 v13;
	v13 =	vtrunc.f32 v20  }
0x57: {  	vm5 =	vge.f32 v16, v4;
	v9 =	vtrunc.f32 v9;
	v8 =	vtrunc.f32 v8  }
0x58: {  	vm7 =	vlt.f32 v16, v5;
	v14 =	vtrunc.f32 v14;
	v8 =	vcvt.f32.s32 v8  }
0x59: {  	v11 =	vcvt.f32.s32 v11;
	vm8 =	vge.f32 v17, v4;
	v10 =	vcvt.f32.s32 v10;
	[tilespmem:v12+s14+$0x0] =	vst.idx.add.f32.msk vm0, v1  }
0x5a: {  	v7 =	vcvt.f32.s32 v7;
	v15 =	vcvt.f32.s32 v13;
	vm0 =	vgt.s32 v8, $0x0  }
0x5b: {  	vm9 =	vgt.s32 v11, $0x0;
	v16 =	vcvt.f32.s32 v9;
	v14 =	vcvt.f32.s32 v14  }
.Ltmp1:
0x5c: {  	vm10 =	vgt.s32 v10, $0x0;
	vm11 =	vgt.s32 v7, $0x0;
	vm12 =	vgt.s32 v15, $0x0;
	(pc) =	sbr.rel @p0 .LBB2_6-.Ltmp1, $4  }
0x5d: {  	vm13 =	vgt.s32 v14, $0x0;
	v13 =	vnsel vm0, $0x0, v8;
	vm0 =	vgt.s32 v16, $0x0  }
0x5e: {  	v11 =	vnsel vm9, $0x0, v11;
	v12 =	vnsel vm10, $0x0, v10;
	v10 =	vnsel vm11, $0x0, v7  }
0x5f: {  	v9 =	vnsel vm12, $0x0, v15;
	v7 =	vnsel vm13, $0x0, v14;
	v8 =	vnsel vm0, $0x0, v16  }
0x60: {  	s20 =	sadd.s32 $0x80, s20;
	vm9 =	vge.f32 v18, v4;
	vm10 =	vlt.f32 v17, v5;
	vm11 =	vlt.f32 v18, v5  }
0x61: {  	vm0 =	vmand vm4, vm6  }
0x62: {  	v13 =	vmin.u32 v13, $0xFFF;
	vm1 =	vmand vm14, vm1  }
0x63: {  	v11 =	vmin.u32 v11, $0xFFF;
	vm2 =	vmand vm2, vm3  }
0x64: {  	v12 =	vmin.u32 v12, $0xFFF;
	vm3 =	vmand vm5, vm7  }
0x65: {  	vm4 =	vge.f32 v6, v4;
	v10 =	vmin.u32 v10, $0xFFF;
	vm5 =	vmand vm8, vm10  }
0x66: {  	vm6 =	vlt.f32 v6, v5;
	v6 =	vmin.u32 v9, $0xFFF;
	vm7 =	vmand vm9, vm11  }
0x67: {  	v8 =	vmin.u32 v8, $0xFFF;
	vm4 =	vmand vm4, vm6;
	[tilespmem:v13+s14+$0x0] =	vst.idx.add.f32.msk vm0, v1  }
0x68: {  	v7 =	vmin.u32 v7, $0xFFF;
	[tilespmem:v11+s14+$0x0] =	vst.idx.add.f32.msk vm1, v1  }
0x69: {  	[tilespmem:v12+s14+$0x0] =	vst.idx.add.f32.msk vm2, v1  }
0x6a: {  	[tilespmem:v10+s14+$0x0] =	vst.idx.add.f32.msk vm3, v1  }
0x6b: {  	[tilespmem:v6+s14+$0x0] =	vst.idx.add.f32.msk vm5, v1  }
0x6c: {  	[tilespmem:v8+s14+$0x0] =	vst.idx.add.f32.msk vm7, v1  }
0x6d: {  	p0 =	seq.s32 s17, $0x1F;
	[tilespmem:v7+s14+$0x0] =	vst.idx.add.f32.msk vm4, v1  }
0x6e: {  	s31 =	simm.s32 $0x20C0;
	s18 =	sadd.s32 @!p0 s18, s7;
	_ =	swait.ge [sflag:s15], $0x2000  }
0x6f: {  	s19 =	simm.s32 @!p0 $0x0;
	s18 =	sshrl.u32 @!p0 s18, $0x3;
	[sflag:s15] =	ssyncset.done $0x0  }
0x70: {  	s20 =	simm.s32 @!p0 $0x80;
	s18 =	sadd.s32 @!p0 s2, s18;
	[sflag:s15] =	ssyncadd.s32 $0xFFFFE000  }
0x71: {  	[tilespmem:s20], [sflag:$0x1] =	stream.linear.gather @!p0 [hbm4b:s18+s19], $0x2000, $0x38;
	[tilespmem:$0x5080] =	vst v63  }
0x72: {  	v7 =	vld [tilespmem:s31+$0x30]  }
0x73: {  	v6 =	vld [tilespmem:s31+$0xFFFFFFD0]  }
0x74: {  	v8 =	vld [tilespmem:s31+$0xFFFFFFE0]  }
0x75: {  	v9 =	vld [tilespmem:s31+$0xFFFFFFF0]  }
0x76: {  	v14 =	vld [tilespmem:s31+$0x0]  }
0x77: {  	v15 =	vld [tilespmem:s31+$0x10];
	_ =	sdelay $0x1  }
0x78: {  	v13 =	vld [tilespmem:s31+$0xFFFFFFC0];
	v10 =	vsub.f32 v7, v2  }
0x79: {  	v11 =	vsub.f32 v6, v2;
	vm14 =	vge.f32 v6, v4;
	v12 =	vsub.f32 v8, v2  }
0x7a: {  	vm2 =	vge.f32 v8, v4;
	vm3 =	vlt.f32 v8, v5;
	v8 =	vsub.f32 v9, v2  }
0x7b: {  	vm1 =	vlt.f32 v6, v5;
	v16 =	vsub.f32 v14, v2;
	v17 =	vsub.f32 v15, v2  }
0x7c: {  	vm5 =	vge.f32 v7, v4;
	vm6 =	vlt.f32 v7, v5;
	v10 =	vmul.f32 v10, v3  }
0x7d: {  	v6 =	vld [tilespmem:s31+$0x20];
	v7 =	vsub.f32 v13, v2;
	v11 =	vmul.f32 v11, v3;
	v12 =	vmul.f32 v12, v3  }
0x7e: {  	vm7 =	vlt.f32 v9, v5;
	v8 =	vmul.f32 v8, v3;
	v16 =	vmul.f32 v16, v3  }
0x7f: {  	vm8 =	vge.f32 v14, v4;
	v17 =	vmul.f32 v17, v3;
	v7 =	vmul.f32 v7, v3  }
0x80: {  	vm9 =	vmand vm5, vm6;
	v10 =	vtrunc.f32 v10;
	v11 =	vtrunc.f32 v11  }
0x81: {  	vm6 =	vlt.f32 v13, v5;
	v8 =	vtrunc.f32 v8;
	v7 =	vtrunc.f32 v7  }
0x82: {  	v10 =	vcvt.f32.s32 v10;
	v18 =	vsub.f32 v6, v2;
	v7 =	vcvt.f32.s32 v7  }
0x83: {  	vm5 =	vge.f32 v9, v4;
	v11 =	vcvt.f32.s32 v11;
	v8 =	vcvt.f32.s32 v8  }
0x84: {  	vm4 =	vgt.s32 v10, $0x0;
	v18 =	vmul.f32 v18, v3;
	vm10 =	vgt.s32 v7, $0x0  }
0x85: {  	v10 =	vnsel vm4, $0x0, v10;
	vm4 =	vge.f32 v13, v4;
	v13 =	vtrunc.f32 v17  }
0x86: {  	v19 =	vmin.u32 v10, $0xFFF;
	v10 =	vtrunc.f32 v12;
	v12 =	vtrunc.f32 v16  }
0x87: {  	vm11 =	vgt.s32 v11, $0x0;
	v9 =	vtrunc.f32 v18;
	v17 =	vcvt.f32.s32 v13  }
0x88: {  	vm13 =	vgt.s32 v8, $0x0;
	v10 =	vcvt.f32.s32 v10;
	v16 =	vcvt.f32.s32 v12  }
0x89: {  	v11 =	vnsel vm11, $0x0, v11;
	v13 =	vnsel vm10, $0x0, v7;
	v18 =	vcvt.f32.s32 v9  }
0x8a: {  	vm11 =	vgt.s32 v17, $0x0;
	vm12 =	vgt.s32 v10, $0x0;
	vm10 =	vgt.s32 v16, $0x0  }
0x8b: {  	v12 =	vnsel vm12, $0x0, v10;
	vm12 =	vgt.s32 v18, $0x0;
	v10 =	vnsel vm13, $0x0, v8  }
0x8c: {  	v9 =	vnsel vm10, $0x0, v16;
	v8 =	vnsel vm11, $0x0, v17;
	vm10 =	vlt.f32 v14, v5  }
0x8d: {  	s17 =	sadd.s32 $0x1, s17;
	s18 =	simm.s32 $0x0;
	s19 =	simm.s32 $0x2140;
	vm11 =	vlt.f32 v15, v5;
	[tilespmem:v19+s14+$0x0] =	vst.idx.add.f32.msk vm9, v1;
	v7 =	vnsel vm12, $0x0, v18;
	vm9 =	vge.f32 v15, v4  }
.LBB2_8:
0x8e: {  	v13 =	vmin.u32 v13, $0xFFF  }
0x8f: {  	v14 =	vld [tilespmem:s19+$0x30];
	s18 =	sadd.s32 $0x80, s18;
	vm12 =	vmmov vm14;
	vm14 =	vge.f32 v6, v4;
	vm15 =	vlt.f32 v6, v5  }
0x90: {  	v11 =	vmin.u32 v11, $0xFFF;
	v12 =	vmin.u32 v12, $0xFFF;
	v10 =	vmin.u32 v10, $0xFFF;
	v6 =	vld [tilespmem:s19+$0xFFFFFFD0];
	p0 =	slt.u32 s18, $0x1F80  }
0x91: {  	v9 =	vmin.u32 v9, $0xFFF;
	v8 =	vmin.u32 v8, $0xFFF;
	v7 =	vmin.u32 v7, $0xFFF;
	v15 =	vld [tilespmem:s19+$0xFFFFFFE0]  }
0x92: {  	vm0 =	vmand vm4, vm6;
	vm13 =	vmand vm12, vm1;
	vm12 =	vmand vm2, vm3;
	v16 =	vld [tilespmem:s19+$0xFFFFFFF0]  }
0x93: {  	vm7 =	vmand vm5, vm7;
	vm6 =	vmand vm8, vm10;
	vm4 =	vmand vm9, vm11;
	v17 =	vld [tilespmem:s19+$0x0]  }
0x94: {  	vm5 =	vmand vm14, vm15;
	v18 =	vld [tilespmem:s19+$0x10];
	v19 =	vsub.f32 v14, v2  }
0x95: {  	v20 =	vsub.f32 v6, v2;
	vm14 =	vge.f32 v6, v4;
	vm1 =	vlt.f32 v6, v5;
	v6 =	vld [tilespmem:s19+$0x20]  }
0x96: {  	v21 =	vld [tilespmem:s19+$0xFFFFFFC0];
	v22 =	vsub.f32 v15, v2;
	vm2 =	vge.f32 v15, v4;
	v19 =	vmul.f32 v19, v3  }
0x97: {  	vm3 =	vlt.f32 v15, v5;
	v20 =	vmul.f32 v20, v3;
	v15 =	vsub.f32 v16, v2  }
0x98: {  	v22 =	vmul.f32 v22, v3;
	v23 =	vsub.f32 v17, v2;
	v19 =	vtrunc.f32 v19;
	[tilespmem:v13+s14+$0x0] =	vst.idx.add.f32.msk vm0, v1  }
0x99: {  	v13 =	vmul.f32 v15, v3;
	v15 =	vsub.f32 v18, v2;
	v19 =	vcvt.f32.s32 v19;
	[tilespmem:v11+s14+$0x0] =	vst.idx.add.f32.msk vm13, v1  }
0x9a: {  	v11 =	vtrunc.f32 v20;
	v20 =	vmul.f32 v23, v3;
	v23 =	vsub.f32 v6, v2;
	[tilespmem:v12+s14+$0x0] =	vst.idx.add.f32.msk vm12, v1  }
0x9b: {  	vm8 =	vge.f32 v14, v4;
	vm9 =	vlt.f32 v14, v5;
	vm0 =	vgt.s32 v19, $0x0;
	[tilespmem:v10+s14+$0x0] =	vst.idx.add.f32.msk vm7, v1  }
0x9c: {  	v10 =	vsub.f32 v21, v2;
	v12 =	vnsel vm0, $0x0, v19;
	vm0 =	vmand vm8, vm9;
	[tilespmem:v9+s14+$0x0] =	vst.idx.add.f32.msk vm6, v1  }
0x9d: {  	v9 =	vmul.f32 v15, v3;
	v14 =	vmul.f32 v23, v3;
	v12 =	vmin.u32 v12, $0xFFF;
	[tilespmem:v8+s14+$0x0] =	vst.idx.add.f32.msk vm4, v1  }
0x9e: {  	v8 =	vmul.f32 v10, v3;
	vm4 =	vge.f32 v21, v4;
	v10 =	vtrunc.f32 v22;
	[tilespmem:v7+s14+$0x0] =	vst.idx.add.f32.msk vm5, v1  }
0x9f: {  	vm6 =	vlt.f32 v21, v5;
	v7 =	vtrunc.f32 v13;
	v13 =	vtrunc.f32 v20  }
0xa0: {  	vm5 =	vge.f32 v16, v4;
	v9 =	vtrunc.f32 v9;
	v8 =	vtrunc.f32 v8  }
0xa1: {  	vm7 =	vlt.f32 v16, v5;
	v14 =	vtrunc.f32 v14;
	v8 =	vcvt.f32.s32 v8  }
0xa2: {  	v11 =	vcvt.f32.s32 v11;
	vm8 =	vge.f32 v17, v4;
	v10 =	vcvt.f32.s32 v10;
	[tilespmem:v12+s14+$0x0] =	vst.idx.add.f32.msk vm0, v1  }
0xa3: {  	v7 =	vcvt.f32.s32 v7;
	v15 =	vcvt.f32.s32 v13;
	vm0 =	vgt.s32 v8, $0x0  }
0xa4: {  	vm9 =	vgt.s32 v11, $0x0;
	v16 =	vcvt.f32.s32 v9;
	v14 =	vcvt.f32.s32 v14  }
.Ltmp2:
0xa5: {  	vm10 =	vgt.s32 v10, $0x0;
	vm11 =	vgt.s32 v7, $0x0;
	vm12 =	vgt.s32 v15, $0x0;
	(pc) =	sbr.rel @p0 .LBB2_8-.Ltmp2, $4  }
0xa6: {  	vm13 =	vgt.s32 v14, $0x0;
	v13 =	vnsel vm0, $0x0, v8;
	vm0 =	vgt.s32 v16, $0x0  }
0xa7: {  	v11 =	vnsel vm9, $0x0, v11;
	v12 =	vnsel vm10, $0x0, v10;
	v10 =	vnsel vm11, $0x0, v7  }
0xa8: {  	v9 =	vnsel vm12, $0x0, v15;
	v7 =	vnsel vm13, $0x0, v14;
	v8 =	vnsel vm0, $0x0, v16  }
0xa9: {  	s19 =	sadd.s32 $0x80, s19;
	vm9 =	vge.f32 v18, v4;
	vm10 =	vlt.f32 v17, v5;
	vm11 =	vlt.f32 v18, v5  }
0xaa: {  	vm0 =	vmand vm4, vm6  }
0xab: {  	v13 =	vmin.u32 v13, $0xFFF;
	vm1 =	vmand vm14, vm1  }
0xac: {  	v11 =	vmin.u32 v11, $0xFFF;
	vm2 =	vmand vm2, vm3  }
0xad: {  	v12 =	vmin.u32 v12, $0xFFF;
	vm3 =	vmand vm5, vm7  }
0xae: {  	vm12 =	vge.f32 v6, v4;
	v10 =	vmin.u32 v10, $0xFFF;
	vm13 =	vmand vm8, vm10  }
0xaf: {  	vm14 =	vlt.f32 v6, v5;
	v6 =	vmin.u32 v9, $0xFFF;
	vm15 =	vmand vm9, vm11  }
0xb0: {  	v8 =	vmin.u32 v8, $0xFFF;
	vm4 =	vmand vm12, vm14;
	[tilespmem:v13+s14+$0x0] =	vst.idx.add.f32.msk vm0, v1  }
0xb1: {  	v7 =	vmin.u32 v7, $0xFFF;
	[tilespmem:v11+s14+$0x0] =	vst.idx.add.f32.msk vm1, v1  }
0xb2: {  	[tilespmem:v12+s14+$0x0] =	vst.idx.add.f32.msk vm2, v1  }
0xb3: {  	[tilespmem:v10+s14+$0x0] =	vst.idx.add.f32.msk vm3, v1  }
0xb4: {  	[tilespmem:v6+s14+$0x0] =	vst.idx.add.f32.msk vm13, v1  }
0xb5: {  	[tilespmem:v8+s14+$0x0] =	vst.idx.add.f32.msk vm15, v1  }
0xb6: {  	[tilespmem:v7+s14+$0x0] =	vst.idx.add.f32.msk vm4, v1  }
0xb7: {  	p0 =	seq.s32 s17, $0x20  }
.Ltmp3:
0xb8: {  	_ = 	snop;
	(pc) =	sbr.rel @!p0 .LBB2_5-.Ltmp3, $1  }
0xb9: {  	_ =	sdelay $0x3  }
0xba: {  	s16 =	sadd.s32 $0x1, s16  }
0xbb: {  	p0 =	sne.s32 s16, s9  }
.Ltmp4:
0xbc: {  	_ = 	snop;
	(pc) =	sbr.rel @p0 .LBB2_1-.Ltmp4, $4  }
0xbd: {  	[hbm4b:s8+s4] =	stream.linear.scatter [tilespmem:s14], [sflag:$0x3], $0x1000, $0x38;
	[tilespmem:$0x5080] =	vst v63  }
0xbe: {  	_ =	swait.ge [sflag:s10], $0x1000  }
0xbf: {  	[sflag:s10] =	ssyncset.done $0x0  }
0xc0: {  	[sflag:s10] =	ssyncadd.s32 $0xFFFFF000  }
0xc1: {  	_ =	sfence.sel $0x180000  }
0xc2: {  	[bflag:$0x0] =	sbarrier.arrive $0xFFFF  }
0xc3: {  	p0 =	sne.s32 s0, $0x0;
	_ =	strace $0x90000047  }
0xc4: {  	s0 =	sadd.s32 @!p0 $0x100000, s1;
	[bflag:$0x2] =	sbarrier.arrive $0xFFFF  }
0xc5: {  	[sflag:s0] =	ssyncadd.tile.s32 @!p0 $0x1;
	_ =	shalt  }
.Lfunc_end2:
_tile_overlayer_lowered:
.L_overlay_start_2:
0xc6: {  	(tag) =	ssettag $0x2  }
0xc7: {  	s0 =	rddreg [dreg:$0x0];
	s2 =	stileid.u32  }
0xc8: {  	s1 =	rddreg [dreg:$0x1];
	p0 =	sne.s32 s2, $0x0  }
0xc9: {  	s3 =	rddreg [dreg:$0x2];
	[bflag:$0x3] =	sbarrier.arrive $0xFFFF;
	s2 =	simm.s32 @!p0 $0x1C03  }
0xca: {  	[timem:s3], [sflag:s2] =	dma.local @!p0 [hbm:s0], s1  }
0xcb: {  	s0 =	simm.s32 @!p0 $0x3  }
0xcc: {  	_ =	swait.ge @!p0 [sflag:s0], s1  }
0xcd: {  	s1 =	ssub.s32 @!p0 $0x0, s1;
	[sflag:s0] =	ssyncset.done @!p0 $0x0  }
0xce: {  	[sflag:s0] =	ssyncadd.s32 @!p0 s1  }
0xcf: {  	[bflag:$0x3] =	sbarrier.arrive $0xFFFF  }
0xd0: {  	_ =	shalt  }

</sc_bundles>
